<compile_context>
chip_gen: v7x
topology: tpu7x:2x2x1
jax: 0.10.2.dev20260603
libtpu: 0.0.44.dev20260713+nightly
codegen_flags: <defaults>
</compile_context>

<pallas_src>
import functools

import jax
import jax.numpy as jnp
from jax import lax
from jax.experimental import pallas as pl
from jax.experimental.pallas import tpu as pltpu
from jax.experimental.pallas import tpu_sc as plsc

_NC = 2
_NS = 16
_NW = _NC * _NS


def _fuse_table(orig, aw1, aw2):
    v, d = orig.shape
    r = aw1.shape[1]
    bv = 10000
    assert v % bv == 0

    def body(o_ref, a1_ref, a2_ref, w_ref):
        w_ref[:, 0:d] = o_ref[...] + jnp.dot(
            a1_ref[...], a2_ref[...], preferred_element_type=jnp.float32
        )

    return pl.pallas_call(
        body,
        grid=(v // bv,),
        in_specs=[
            pl.BlockSpec((bv, d), lambda i: (i, 0)),
            pl.BlockSpec((bv, r), lambda i: (i, 0)),
            pl.BlockSpec((r, d), lambda i: (0, 0)),
        ],
        out_specs=pl.BlockSpec((bv, 128), lambda i: (i, 0)),
        out_shape=jax.ShapeDtypeStruct((v, 128), jnp.float32),
    )(orig, aw1, aw2)


def _sc_gather_t(weight2, x_flat, b, l, d):
    n = x_flat.shape[0]
    assert n == b * l and d == 64 and b % (128 * _NW) == 0
    bt_w = b // (128 * _NW)
    n_u = bt_w * l
    n_i = bt_w * 128 * l
    mesh = plsc.VectorSubcoreMesh(
        core_axis_name="c", subcore_axis_name="s",
        num_cores=_NC, num_subcores=_NS,
    )

    @functools.partial(
        pl.kernel,
        out_type=jax.ShapeDtypeStruct((l, 8, b // 128, 8, 128), jnp.float32),
        mesh=mesh,
        compiler_params=pltpu.CompilerParams(use_tc_tiling_on_sc=False, needs_layout_passes=False),
        scratch_types=[
            pltpu.VMEM((n_i,), jnp.int32),
            pltpu.VMEM((2, 128), jnp.int32),
            pltpu.VMEM((2 * 128, d), jnp.float32),
            pltpu.VMEM((2 * 64, 129), jnp.float32),
            pltpu.SemaphoreType.DMA((2,)),
            pltpu.SemaphoreType.DMA((2,)),
        ],
    )
    def k(w_hbm, x_hbm, out_hbm, idx_v, idxl_v, rows_v, t_v, gsem, wsem):
        wid = lax.axis_index("s") * _NC + lax.axis_index("c")
        base_i = wid * n_i
        pltpu.sync_copy(x_hbm.at[pl.ds(base_i, n_i)], idx_v)

        iota = lax.iota(jnp.int32, 16)
        mul_l = iota * l
        dcol = [iota + d0 for d0 in (0, 16, 32, 48)]

        def unit_bt_l(u):
            return u // l, lax.rem(u, l)

        def build_idxl(u, slot):
            bt, li = unit_bt_l(u)
            for g in range(8):
                pos = (bt * 128 + g * 16) * l + li + mul_l
                vals = plsc.load_gather(idx_v, [pos])
                idxl_v[slot, pl.ds(g * 16, 16)] = vals + vals

        def gather(slot):
            return pltpu.make_async_copy(
                w_hbm.at[idxl_v.at[slot]],
                rows_v.at[pl.ds(slot * 128, 128)], gsem.at[slot])

        def tile_writes(u, slot):
            bt, li = unit_bt_l(u)
            gbt = wid * bt_w + bt
            return [
                pltpu.make_async_copy(
                    t_v.at[pl.ds(slot * 64 + dt * 8, 8), pl.ds(0, 128)],
                    out_hbm.at[li, dt, gbt], wsem.at[slot])
                for dt in range(8)
            ]

        build_idxl(0, 0)
        gather(0).start()

        def body(u, carry):
            slot = lax.rem(u, 2)

            @pl.when(u + 1 < n_u)
            def _():
                build_idxl(u + 1, 1 - slot)
                gather(1 - slot).start()

            gather(slot).wait()

            @pl.when(u >= 2)
            def _():
                for cp in tile_writes(u - 2, slot):
                    cp.wait()

            sbase = slot * 128
            drow = [dcol[i] + slot * 64 for i in range(4)]

            @plsc.parallel_loop(0, 128, step=1, unroll=8)
            def _(bh):
                r = sbase + bh
                bsp = jnp.full((16,), bh, jnp.int32)
                for d0 in (0, 16, 32, 48):
                    vals = rows_v[r, pl.ds(d0, 16)]
                    plsc.store_scatter(t_v, [drow[d0 // 16], bsp], vals)

            for cp in tile_writes(u, slot):
                cp.start()
            return carry

        lax.fori_loop(0, n_u, body, 0)

        for u in (n_u - 2, n_u - 1):
            for cp in tile_writes(u, lax.rem(u, 2)):
                cp.wait()

    return k(weight2, x_flat)


def kernel(x, orig_weight, aw1, aw2):
    b, l = x.shape
    v, d = orig_weight.shape
    wpad = _fuse_table(orig_weight, aw1, aw2)
    weight2 = wpad.reshape(2 * v, d)
    p = _sc_gather_t(weight2, x.reshape(-1), b, l, d)
    return p.transpose(2, 4, 0, 1, 3).reshape(b, l, d)

# --- scband reference (transcript-rebuilt; emitter-appended) ---
"""Pipeline reference for scband-loralized-embedding-17540646436900 (READ-ONLY COPY).

The authoritative reference and input builder live on the scoring server;
editing this copy changes nothing except your own understanding.
"""

import jax, jax.numpy as jnp
import numpy as np

V = 100000
D = 64
R = 16
B = 16384
L = 20


def setup_inputs(seed: int = 0) -> dict:
    key = jax.random.key(seed)
    k1, k2, k3, k4 = jax.random.split(key, 4)
    x = jax.random.randint(k1, (B, L), 0, V, dtype=jnp.int64) if jax.config.jax_enable_x64 else jax.random.randint(k1, (B, L), 0, V, dtype=jnp.int32)
    # frozen original embedding table (nn.Embedding default init ~ N(0,1))
    orig_weight = jax.random.normal(k2, (V, D), dtype=jnp.float32)
    # LoRA adaptor factors, both init N(0, 0.02) per get_adaptor
    aw1 = 0.02 * jax.random.normal(k3, (V, R), dtype=jnp.float32)
    aw2 = 0.02 * jax.random.normal(k4, (R, D), dtype=jnp.float32)
    return {"x": x, "orig_weight": orig_weight, "aw1": aw1, "aw2": aw2}


def reference(x, orig_weight, aw1, aw2):
    # weight = orig_weight + aw1 @ aw2 (low-rank update applied to full table)
    weight = orig_weight + aw1 @ aw2
    # F.embedding with padding_idx=None, max_norm=None, sparse=False -> plain gather
    out = jnp.take(weight, x, axis=0)
    return out

if __name__ == "__main__":
    import jax
    _d = setup_inputs()
    print(jax.jit(kernel)(*tuple(_d.values())))

</pallas_src>

<mosaic_0001>
#map = affine_map<(d0, d1) -> (0, 0)>
#map1 = affine_map<(d0, d1) -> (0)>
#map2 = affine_map<(d0, d1) -> (0, 0, 0, 0, 0)>
module attributes {stable_mosaic.version = 14 : i64} {
  func.func @k(%arg0: i32, %arg1: i32, %arg2: memref<200000x64xf32, #tpu.memory_space<hbm>>, %arg3: memref<327680xi32, #tpu.memory_space<hbm>>, %arg4: memref<20x8x128x8x128xf32, #tpu.memory_space<hbm>>, %arg5: memref<10240xi32, #tpu.memory_space<vmem>>, %arg6: memref<2x128xi32, #tpu.memory_space<vmem>>, %arg7: memref<256x64xf32, #tpu.memory_space<vmem>>, %arg8: memref<128x129xf32, #tpu.memory_space<vmem>>, %arg9: memref<2x!tpu.dma_semaphore, #tpu.memory_space<semaphore_mem>>, %arg10: memref<2x!tpu.dma_semaphore, #tpu.memory_space<semaphore_mem>>) attributes {dimension_semantics = [#tpu.dimension_semantics<core_parallel>, #tpu.dimension_semantics<subcore_parallel>], iteration_bounds = array<i64: 2, 16>, scalar_prefetch = 0 : i64, scratch_operands = 6 : i64, tpu.core_type = #tpu.core_type<sc_vector_subcore>, window_params = [{transform_indices = #map}, {transform_indices = #map1}, {transform_indices = #map2}]} {
    %mul3A = arith.constant 2 : i32
    %mul3A_0 = arith.muli %arg1, %mul3A : i32
    %add3A = arith.addi %mul3A_0, %arg0 : i32
    %mul3A_1 = arith.constant 10240 : i32
    %mul3A_2 = arith.muli %add3A, %mul3A_1 : i32
    "tpu.region"() ({
      %run_scoped3A = tpu.sem_alloc : memref<!tpu.dma_semaphore, #tpu.memory_space<semaphore_mem>>
      %dma_start3A_438 = tpu.memref_slice %arg3[%mul3A_2] : memref<327680xi32, #tpu.memory_space<hbm>> -> memref<10240xi32, #tpu.memory_space<hbm>>
      %dma_start3A_439 = tpu.memref_slice %arg3[%mul3A_2] : memref<327680xi32, #tpu.memory_space<hbm>> -> memref<10240xi32, #tpu.memory_space<hbm>>
      tpu.enqueue_dma source(%dma_start3A_439 : memref<10240xi32, #tpu.memory_space<hbm>>) target(%arg5 : memref<10240xi32, #tpu.memory_space<vmem>>) target_semaphore(%run_scoped3A : memref<!tpu.dma_semaphore, #tpu.memory_space<semaphore_mem>>)
      %dma_wait3A_440 = tpu.memref_slice %arg3[%mul3A_2] : memref<327680xi32, #tpu.memory_space<hbm>> -> memref<10240xi32, #tpu.memory_space<hbm>>
      %dma_wait3A_441 = tpu.memref_slice %arg3[%mul3A_2] : memref<327680xi32, #tpu.memory_space<hbm>> -> memref<10240xi32, #tpu.memory_space<hbm>>
      tpu.wait_dma2 semaphore(%run_scoped3A : memref<!tpu.dma_semaphore, #tpu.memory_space<semaphore_mem>>) src(%dma_wait3A_441 : memref<10240xi32, #tpu.memory_space<hbm>>) dst(%arg5 : memref<10240xi32, #tpu.memory_space<vmem>>)
      tpu.yield
    }) : () -> ()
    %iota3A = tpu.iota {dimensions = array<i32: 0>} : vector<16xi32>
    %mul3A_3 = arith.constant 20 : i32
    %mul3A_4 = vector.broadcast %mul3A_3 : i32 to vector<16xi32>
    %mul3A_5 = arith.muli %iota3A, %mul3A_4 : vector<16xi32>
    %add3A_6 = arith.constant 0 : i32
    %add3A_7 = vector.broadcast %add3A_6 : i32 to vector<16xi32>
    %add3A_8 = arith.addi %iota3A, %add3A_7 : vector<16xi32>
    %add3A_9 = arith.constant 16 : i32
    %add3A_10 = vector.broadcast %add3A_9 : i32 to vector<16xi32>
    %add3A_11 = arith.addi %iota3A, %add3A_10 : vector<16xi32>
    %add3A_12 = arith.constant 32 : i32
    %add3A_13 = vector.broadcast %add3A_12 : i32 to vector<16xi32>
    %add3A_14 = arith.addi %iota3A, %add3A_13 : vector<16xi32>
    %add3A_15 = arith.constant 48 : i32
    %add3A_16 = vector.broadcast %add3A_15 : i32 to vector<16xi32>
    %add3A_17 = arith.addi %iota3A, %add3A_16 : vector<16xi32>
    %rem3A = arith.constant 0 : i32
    %rem3A_18 = arith.constant 20 : i32
    %rem3A_19 = arith.remsi %rem3A, %rem3A_18 : i32
    %add3A_20 = arith.constant 0 : i32
    %add3A_21 = arith.addi %add3A_20, %rem3A_19 : i32
    %add3A_22 = vector.broadcast %add3A_21 : i32 to vector<16xi32>
    %add3A_23 = arith.addi %add3A_22, %mul3A_5 : vector<16xi32>
    %gather3A = tpu.vector_load_idx %arg5[%add3A_23] : memref<10240xi32, #tpu.memory_space<vmem>>[vector<16xi32>], vector<16xi32>,
    %add3A_24 = arith.addi %gather3A, %gather3A : vector<16xi32>
    %swap3A = arith.constant 0 : i32
    %swap3A_25 = arith.index_cast %swap3A : i32 to index
    %swap3A_26 = arith.constant 0 : index
    %swap3A_27 = tpu.vector_load %arg6[%swap3A_25, %swap3A_26] {strides = array<i32>} : memref<2x128xi32, #tpu.memory_space<vmem>>, vector<16xi32>,
    tpu.vector_store %arg6[%swap3A_25, %swap3A_26], %add3A_24 {strides = array<i32>} : memref<2x128xi32, #tpu.memory_space<vmem>>, vector<16xi32>,
    %add3A_28 = arith.constant 320 : i32
    %add3A_29 = arith.addi %add3A_28, %rem3A_19 : i32
    %add3A_30 = vector.broadcast %add3A_29 : i32 to vector<16xi32>
    %add3A_31 = arith.addi %add3A_30, %mul3A_5 : vector<16xi32>
    %gather3A_32 = tpu.vector_load_idx %arg5[%add3A_31] : memref<10240xi32, #tpu.memory_space<vmem>>[vector<16xi32>], vector<16xi32>,
    %add3A_33 = arith.addi %gather3A_32, %gather3A_32 : vector<16xi32>
    %swap3A_34 = arith.constant 0 : i32
    %swap3A_35 = arith.index_cast %swap3A_34 : i32 to index
    %swap3A_36 = arith.constant 16 : index
    %swap3A_37 = tpu.vector_load %arg6[%swap3A_35, %swap3A_36] {strides = array<i32>} : memref<2x128xi32, #tpu.memory_space<vmem>>, vector<16xi32>,
    tpu.vector_store %arg6[%swap3A_35, %swap3A_36], %add3A_33 {strides = array<i32>} : memref<2x128xi32, #tpu.memory_space<vmem>>, vector<16xi32>,
    %add3A_38 = arith.constant 640 : i32
    %add3A_39 = arith.addi %add3A_38, %rem3A_19 : i32
    %add3A_40 = vector.broadcast %add3A_39 : i32 to vector<16xi32>
    %add3A_41 = arith.addi %add3A_40, %mul3A_5 : vector<16xi32>
    %gather3A_42 = tpu.vector_load_idx %arg5[%add3A_41] : memref<10240xi32, #tpu.memory_space<vmem>>[vector<16xi32>], vector<16xi32>,
    %add3A_43 = arith.addi %gather3A_42, %gather3A_42 : vector<16xi32>
    %swap3A_44 = arith.constant 0 : i32
    %swap3A_45 = arith.index_cast %swap3A_44 : i32 to index
    %swap3A_46 = arith.constant 32 : index
    %swap3A_47 = tpu.vector_load %arg6[%swap3A_45, %swap3A_46] {strides = array<i32>} : memref<2x128xi32, #tpu.memory_space<vmem>>, vector<16xi32>,
    tpu.vector_store %arg6[%swap3A_45, %swap3A_46], %add3A_43 {strides = array<i32>} : memref<2x128xi32, #tpu.memory_space<vmem>>, vector<16xi32>,
    %add3A_48 = arith.constant 960 : i32
    %add3A_49 = arith.addi %add3A_48, %rem3A_19 : i32
    %add3A_50 = vector.broadcast %add3A_49 : i32 to vector<16xi32>
    %add3A_51 = arith.addi %add3A_50, %mul3A_5 : vector<16xi32>
    %gather3A_52 = tpu.vector_load_idx %arg5[%add3A_51] : memref<10240xi32, #tpu.memory_space<vmem>>[vector<16xi32>], vector<16xi32>,
    %add3A_53 = arith.addi %gather3A_52, %gather3A_52 : vector<16xi32>
    %swap3A_54 = arith.constant 0 : i32
    %swap3A_55 = arith.index_cast %swap3A_54 : i32 to index
    %swap3A_56 = arith.constant 48 : index
    %swap3A_57 = tpu.vector_load %arg6[%swap3A_55, %swap3A_56] {strides = array<i32>} : memref<2x128xi32, #tpu.memory_space<vmem>>, vector<16xi32>,
    tpu.vector_store %arg6[%swap3A_55, %swap3A_56], %add3A_53 {strides = array<i32>} : memref<2x128xi32, #tpu.memory_space<vmem>>, vector<16xi32>,
    %add3A_58 = arith.constant 1280 : i32
    %add3A_59 = arith.addi %add3A_58, %rem3A_19 : i32
    %add3A_60 = vector.broadcast %add3A_59 : i32 to vector<16xi32>
    %add3A_61 = arith.addi %add3A_60, %mul3A_5 : vector<16xi32>
    %gather3A_62 = tpu.vector_load_idx %arg5[%add3A_61] : memref<10240xi32, #tpu.memory_space<vmem>>[vector<16xi32>], vector<16xi32>,
    %add3A_63 = arith.addi %gather3A_62, %gather3A_62 : vector<16xi32>
    %swap3A_64 = arith.constant 0 : i32
    %swap3A_65 = arith.index_cast %swap3A_64 : i32 to index
    %swap3A_66 = arith.constant 64 : index
    %swap3A_67 = tpu.vector_load %arg6[%swap3A_65, %swap3A_66] {strides = array<i32>} : memref<2x128xi32, #tpu.memory_space<vmem>>, vector<16xi32>,
    tpu.vector_store %arg6[%swap3A_65, %swap3A_66], %add3A_63 {strides = array<i32>} : memref<2x128xi32, #tpu.memory_space<vmem>>, vector<16xi32>,
    %add3A_68 = arith.constant 1600 : i32
    %add3A_69 = arith.addi %add3A_68, %rem3A_19 : i32
    %add3A_70 = vector.broadcast %add3A_69 : i32 to vector<16xi32>
    %add3A_71 = arith.addi %add3A_70, %mul3A_5 : vector<16xi32>
    %gather3A_72 = tpu.vector_load_idx %arg5[%add3A_71] : memref<10240xi32, #tpu.memory_space<vmem>>[vector<16xi32>], vector<16xi32>,
    %add3A_73 = arith.addi %gather3A_72, %gather3A_72 : vector<16xi32>
    %swap3A_74 = arith.constant 0 : i32
    %swap3A_75 = arith.index_cast %swap3A_74 : i32 to index
    %swap3A_76 = arith.constant 80 : index
    %swap3A_77 = tpu.vector_load %arg6[%swap3A_75, %swap3A_76] {strides = array<i32>} : memref<2x128xi32, #tpu.memory_space<vmem>>, vector<16xi32>,
    tpu.vector_store %arg6[%swap3A_75, %swap3A_76], %add3A_73 {strides = array<i32>} : memref<2x128xi32, #tpu.memory_space<vmem>>, vector<16xi32>,
    %add3A_78 = arith.constant 1920 : i32
    %add3A_79 = arith.addi %add3A_78, %rem3A_19 : i32
    %add3A_80 = vector.broadcast %add3A_79 : i32 to vector<16xi32>
    %add3A_81 = arith.addi %add3A_80, %mul3A_5 : vector<16xi32>
    %gather3A_82 = tpu.vector_load_idx %arg5[%add3A_81] : memref<10240xi32, #tpu.memory_space<vmem>>[vector<16xi32>], vector<16xi32>,
    %add3A_83 = arith.addi %gather3A_82, %gather3A_82 : vector<16xi32>
    %swap3A_84 = arith.constant 0 : i32
    %swap3A_85 = arith.index_cast %swap3A_84 : i32 to index
    %swap3A_86 = arith.constant 96 : index
    %swap3A_87 = tpu.vector_load %arg6[%swap3A_85, %swap3A_86] {strides = array<i32>} : memref<2x128xi32, #tpu.memory_space<vmem>>, vector<16xi32>,
    tpu.vector_store %arg6[%swap3A_85, %swap3A_86], %add3A_83 {strides = array<i32>} : memref<2x128xi32, #tpu.memory_space<vmem>>, vector<16xi32>,
    %add3A_88 = arith.constant 2240 : i32
    %add3A_89 = arith.addi %add3A_88, %rem3A_19 : i32
    %add3A_90 = vector.broadcast %add3A_89 : i32 to vector<16xi32>
    %add3A_91 = arith.addi %add3A_90, %mul3A_5 : vector<16xi32>
    %gather3A_92 = tpu.vector_load_idx %arg5[%add3A_91] : memref<10240xi32, #tpu.memory_space<vmem>>[vector<16xi32>], vector<16xi32>,
    %add3A_93 = arith.addi %gather3A_92, %gather3A_92 : vector<16xi32>
    %swap3A_94 = arith.constant 0 : i32
    %swap3A_95 = arith.index_cast %swap3A_94 : i32 to index
    %swap3A_96 = arith.constant 112 : index
    %swap3A_97 = tpu.vector_load %arg6[%swap3A_95, %swap3A_96] {strides = array<i32>} : memref<2x128xi32, #tpu.memory_space<vmem>>, vector<16xi32>,
    tpu.vector_store %arg6[%swap3A_95, %swap3A_96], %add3A_93 {strides = array<i32>} : memref<2x128xi32, #tpu.memory_space<vmem>>, vector<16xi32>,
    %dma_start3A = arith.constant 0 : i32
    %dma_start3A_98 = arith.constant 0 : i32
    %dma_start3A_99 = arith.constant 0 : i32
    %dma_start3A_100 = arith.constant 0 : i32
    %dma_start3A_101 = tpu.memref_slice %arg7[%dma_start3A_99, %dma_start3A_100] : memref<256x64xf32, #tpu.memory_space<vmem>> -> memref<128x64xf32, #tpu.memory_space<vmem>>
    %dma_start3A_102 = arith.constant 0 : i32
    %dma_start3A_103 = tpu.memref_slice %arg6[%dma_start3A, %dma_start3A_102] : memref<2x128xi32, #tpu.memory_space<vmem>> -> memref<1x128xi32, #tpu.memory_space<vmem>>
    %dma_start3A_104 = tpu.memref_squeeze %dma_start3A_103 : memref<1x128xi32, #tpu.memory_space<vmem>> -> memref<128xi32, #tpu.memory_space<vmem>>
    %dma_start3A_105 = arith.constant 0 : i32
    %dma_start3A_106 = arith.constant 0 : i32
    %dma_start3A_107 = tpu.memref_slice %arg2[%dma_start3A_105, %dma_start3A_106] : memref<200000x64xf32, #tpu.memory_space<hbm>> -> memref<200000x64xf32, #tpu.memory_space<hbm>>
    %dma_start3A_108 = tpu.memref_slice %arg9[%dma_start3A_98] : memref<2x!tpu.dma_semaphore, #tpu.memory_space<semaphore_mem>> -> memref<1x!tpu.dma_semaphore, #tpu.memory_space<semaphore_mem>>
    %dma_start3A_109 = tpu.memref_squeeze %dma_start3A_108 : memref<1x!tpu.dma_semaphore, #tpu.memory_space<semaphore_mem>> -> memref<!tpu.dma_semaphore, #tpu.memory_space<semaphore_mem>>
    tpu.enqueue_indirect_dma source(%dma_start3A_107 : memref<200000x64xf32, #tpu.memory_space<hbm>>) target(%dma_start3A_101 : memref<128x64xf32, #tpu.memory_space<vmem>>) offsets(%dma_start3A_104 : memref<128xi32, #tpu.memory_space<vmem>>) semaphore(%dma_start3A_109 : memref<!tpu.dma_semaphore, #tpu.memory_space<semaphore_mem>>)
    %scan3A = arith.constant 0 : i32
    %scan3A_110 = arith.constant 0 : i32
    %scan3A_111 = arith.constant 80 : i32
    %scan3A_112 = arith.addi %scan3A_110, %scan3A_111 : i32
    %scan3A_113 = arith.constant 1 : i32
    scf.for %scan3A_438 = %scan3A_110 to %scan3A_112 step %scan3A_113  : i32 {
      %rem3A_439 = arith.constant 2 : i32
      %rem3A_440 = arith.remsi %scan3A_438, %rem3A_439 : i32
      %add3A_441 = arith.constant 1 : i32
      %add3A_442 = arith.addi %scan3A_438, %add3A_441 : i32
      %lt3A = arith.constant 80 : i32
      %lt3A_443 = arith.cmpi slt, %add3A_442, %lt3A : i32
      %convert_element_type3A = arith.extui %lt3A_443 : i1 to i32
      %cond3A = arith.constant 0 : i32
      %cond3A_444 = arith.cmpi ne, %convert_element_type3A, %cond3A : i32
      scf.if %cond3A_444 {
        %add3A_655 = arith.constant 1 : i32
        %add3A_656 = arith.addi %scan3A_438, %add3A_655 : i32
        %sub3A_657 = arith.constant 1 : i32
        %sub3A_658 = arith.subi %sub3A_657, %rem3A_440 : i32
        %jit3A_659 = arith.constant 20 : i32
        %div3A_660 = arith.divsi %add3A_656, %jit3A_659 : i32
        %sign3A_661 = arith.constant 0 : i32
        %sign3A_662 = arith.cmpi sgt, %add3A_656, %sign3A_661 : i32
        %sign3A_663 = arith.extui %sign3A_662 : i1 to i32
        %sign3A_664 = arith.constant 0 : i32
        %sign3A_665 = arith.cmpi slt, %add3A_656, %sign3A_664 : i32
        %sign3A_666 = arith.extui %sign3A_665 : i1 to i32
        %sign3A_667 = arith.subi %sign3A_663, %sign3A_666 : i32
        %sign3A_668 = arith.constant 0 : i32
        %sign3A_669 = arith.cmpi sgt, %jit3A_659, %sign3A_668 : i32
        %sign3A_670 = arith.extui %sign3A_669 : i1 to i32
        %sign3A_671 = arith.constant 0 : i32
        %sign3A_672 = arith.cmpi slt, %jit3A_659, %sign3A_671 : i32
        %sign3A_673 = arith.extui %sign3A_672 : i1 to i32
        %sign3A_674 = arith.subi %sign3A_670, %sign3A_673 : i32
        %ne3A_675 = arith.cmpi ne, %sign3A_667, %sign3A_674 : i32
        %rem3A_676 = arith.remsi %add3A_656, %jit3A_659 : i32
        %ne3A_677 = arith.constant 0 : i32
        %ne3A_678 = arith.cmpi ne, %rem3A_676, %ne3A_677 : i32
        %and3A_679 = arith.andi %ne3A_675, %ne3A_678 : i1
        %sub3A_680 = arith.constant 1 : i32
        %sub3A_681 = arith.subi %div3A_660, %sub3A_680 : i32
        %select_n3A_682 = arith.select %and3A_679, %sub3A_681, %div3A_660 : i32
        %rem3A_683 = arith.constant 20 : i32
        %rem3A_684 = arith.remsi %add3A_656, %rem3A_683 : i32
        %mul3A_685 = arith.constant 128 : i32
        %mul3A_686 = arith.muli %select_n3A_682, %mul3A_685 : i32
        %add3A_687 = arith.constant 0 : i32
        %add3A_688 = arith.addi %mul3A_686, %add3A_687 : i32
        %mul3A_689 = arith.constant 20 : i32
        %mul3A_690 = arith.muli %add3A_688, %mul3A_689 : i32
        %add3A_691 = arith.addi %mul3A_690, %rem3A_684 : i32
        %add3A_692 = vector.broadcast %add3A_691 : i32 to vector<16xi32>
        %add3A_693 = arith.addi %add3A_692, %mul3A_5 : vector<16xi32>
        %gather3A_694 = tpu.vector_load_idx %arg5[%add3A_693] : memref<10240xi32, #tpu.memory_space<vmem>>[vector<16xi32>], vector<16xi32>,
        %add3A_695 = arith.addi %gather3A_694, %gather3A_694 : vector<16xi32>
        %swap3A_696 = arith.index_cast %sub3A_658 : i32 to index
        %swap3A_697 = arith.constant 0 : index
        %swap3A_698 = tpu.vector_load %arg6[%swap3A_696, %swap3A_697] {strides = array<i32>} : memref<2x128xi32, #tpu.memory_space<vmem>>, vector<16xi32>,
        tpu.vector_store %arg6[%swap3A_696, %swap3A_697], %add3A_695 {strides = array<i32>} : memref<2x128xi32, #tpu.memory_space<vmem>>, vector<16xi32>,
        %mul3A_699 = arith.constant 128 : i32
        %mul3A_700 = arith.muli %select_n3A_682, %mul3A_699 : i32
        %add3A_701 = arith.constant 16 : i32
        %add3A_702 = arith.addi %mul3A_700, %add3A_701 : i32
        %mul3A_703 = arith.constant 20 : i32
        %mul3A_704 = arith.muli %add3A_702, %mul3A_703 : i32
        %add3A_705 = arith.addi %mul3A_704, %rem3A_684 : i32
        %add3A_706 = vector.broadcast %add3A_705 : i32 to vector<16xi32>
        %add3A_707 = arith.addi %add3A_706, %mul3A_5 : vector<16xi32>
        %gather3A_708 = tpu.vector_load_idx %arg5[%add3A_707] : memref<10240xi32, #tpu.memory_space<vmem>>[vector<16xi32>], vector<16xi32>,
        %add3A_709 = arith.addi %gather3A_708, %gather3A_708 : vector<16xi32>
        %swap3A_710 = arith.index_cast %sub3A_658 : i32 to index
        %swap3A_711 = arith.constant 16 : index
        %swap3A_712 = tpu.vector_load %arg6[%swap3A_710, %swap3A_711] {strides = array<i32>} : memref<2x128xi32, #tpu.memory_space<vmem>>, vector<16xi32>,
        tpu.vector_store %arg6[%swap3A_710, %swap3A_711], %add3A_709 {strides = array<i32>} : memref<2x128xi32, #tpu.memory_space<vmem>>, vector<16xi32>,
        %mul3A_713 = arith.constant 128 : i32
        %mul3A_714 = arith.muli %select_n3A_682, %mul3A_713 : i32
        %add3A_715 = arith.constant 32 : i32
        %add3A_716 = arith.addi %mul3A_714, %add3A_715 : i32
        %mul3A_717 = arith.constant 20 : i32
        %mul3A_718 = arith.muli %add3A_716, %mul3A_717 : i32
        %add3A_719 = arith.addi %mul3A_718, %rem3A_684 : i32
        %add3A_720 = vector.broadcast %add3A_719 : i32 to vector<16xi32>
        %add3A_721 = arith.addi %add3A_720, %mul3A_5 : vector<16xi32>
        %gather3A_722 = tpu.vector_load_idx %arg5[%add3A_721] : memref<10240xi32, #tpu.memory_space<vmem>>[vector<16xi32>], vector<16xi32>,
        %add3A_723 = arith.addi %gather3A_722, %gather3A_722 : vector<16xi32>
        %swap3A_724 = arith.index_cast %sub3A_658 : i32 to index
        %swap3A_725 = arith.constant 32 : index
        %swap3A_726 = tpu.vector_load %arg6[%swap3A_724, %swap3A_725] {strides = array<i32>} : memref<2x128xi32, #tpu.memory_space<vmem>>, vector<16xi32>,
        tpu.vector_store %arg6[%swap3A_724, %swap3A_725], %add3A_723 {strides = array<i32>} : memref<2x128xi32, #tpu.memory_space<vmem>>, vector<16xi32>,
        %mul3A_727 = arith.constant 128 : i32
        %mul3A_728 = arith.muli %select_n3A_682, %mul3A_727 : i32
        %add3A_729 = arith.constant 48 : i32
        %add3A_730 = arith.addi %mul3A_728, %add3A_729 : i32
        %mul3A_731 = arith.constant 20 : i32
        %mul3A_732 = arith.muli %add3A_730, %mul3A_731 : i32
        %add3A_733 = arith.addi %mul3A_732, %rem3A_684 : i32
        %add3A_734 = vector.broadcast %add3A_733 : i32 to vector<16xi32>
        %add3A_735 = arith.addi %add3A_734, %mul3A_5 : vector<16xi32>
        %gather3A_736 = tpu.vector_load_idx %arg5[%add3A_735] : memref<10240xi32, #tpu.memory_space<vmem>>[vector<16xi32>], vector<16xi32>,
        %add3A_737 = arith.addi %gather3A_736, %gather3A_736 : vector<16xi32>
        %swap3A_738 = arith.index_cast %sub3A_658 : i32 to index
        %swap3A_739 = arith.constant 48 : index
        %swap3A_740 = tpu.vector_load %arg6[%swap3A_738, %swap3A_739] {strides = array<i32>} : memref<2x128xi32, #tpu.memory_space<vmem>>, vector<16xi32>,
        tpu.vector_store %arg6[%swap3A_738, %swap3A_739], %add3A_737 {strides = array<i32>} : memref<2x128xi32, #tpu.memory_space<vmem>>, vector<16xi32>,
        %mul3A_741 = arith.constant 128 : i32
        %mul3A_742 = arith.muli %select_n3A_682, %mul3A_741 : i32
        %add3A_743 = arith.constant 64 : i32
        %add3A_744 = arith.addi %mul3A_742, %add3A_743 : i32
        %mul3A_745 = arith.constant 20 : i32
        %mul3A_746 = arith.muli %add3A_744, %mul3A_745 : i32
        %add3A_747 = arith.addi %mul3A_746, %rem3A_684 : i32
        %add3A_748 = vector.broadcast %add3A_747 : i32 to vector<16xi32>
        %add3A_749 = arith.addi %add3A_748, %mul3A_5 : vector<16xi32>
        %gather3A_750 = tpu.vector_load_idx %arg5[%add3A_749] : memref<10240xi32, #tpu.memory_space<vmem>>[vector<16xi32>], vector<16xi32>,
        %add3A_751 = arith.addi %gather3A_750, %gather3A_750 : vector<16xi32>
        %swap3A_752 = arith.index_cast %sub3A_658 : i32 to index
        %swap3A_753 = arith.constant 64 : index
        %swap3A_754 = tpu.vector_load %arg6[%swap3A_752, %swap3A_753] {strides = array<i32>} : memref<2x128xi32, #tpu.memory_space<vmem>>, vector<16xi32>,
        tpu.vector_store %arg6[%swap3A_752, %swap3A_753], %add3A_751 {strides = array<i32>} : memref<2x128xi32, #tpu.memory_space<vmem>>, vector<16xi32>,
        %mul3A_755 = arith.constant 128 : i32
        %mul3A_756 = arith.muli %select_n3A_682, %mul3A_755 : i32
        %add3A_757 = arith.constant 80 : i32
        %add3A_758 = arith.addi %mul3A_756, %add3A_757 : i32
        %mul3A_759 = arith.constant 20 : i32
        %mul3A_760 = arith.muli %add3A_758, %mul3A_759 : i32
        %add3A_761 = arith.addi %mul3A_760, %rem3A_684 : i32
        %add3A_762 = vector.broadcast %add3A_761 : i32 to vector<16xi32>
        %add3A_763 = arith.addi %add3A_762, %mul3A_5 : vector<16xi32>
        %gather3A_764 = tpu.vector_load_idx %arg5[%add3A_763] : memref<10240xi32, #tpu.memory_space<vmem>>[vector<16xi32>], vector<16xi32>,
        %add3A_765 = arith.addi %gather3A_764, %gather3A_764 : vector<16xi32>
        %swap3A_766 = arith.index_cast %sub3A_658 : i32 to index
        %swap3A_767 = arith.constant 80 : index
        %swap3A_768 = tpu.vector_load %arg6[%swap3A_766, %swap3A_767] {strides = array<i32>} : memref<2x128xi32, #tpu.memory_space<vmem>>, vector<16xi32>,
        tpu.vector_store %arg6[%swap3A_766, %swap3A_767], %add3A_765 {strides = array<i32>} : memref<2x128xi32, #tpu.memory_space<vmem>>, vector<16xi32>,
        %mul3A_769 = arith.constant 128 : i32
        %mul3A_770 = arith.muli %select_n3A_682, %mul3A_769 : i32
        %add3A_771 = arith.constant 96 : i32
        %add3A_772 = arith.addi %mul3A_770, %add3A_771 : i32
        %mul3A_773 = arith.constant 20 : i32
        %mul3A_774 = arith.muli %add3A_772, %mul3A_773 : i32
        %add3A_775 = arith.addi %mul3A_774, %rem3A_684 : i32
        %add3A_776 = vector.broadcast %add3A_775 : i32 to vector<16xi32>
        %add3A_777 = arith.addi %add3A_776, %mul3A_5 : vector<16xi32>
        %gather3A_778 = tpu.vector_load_idx %arg5[%add3A_777] : memref<10240xi32, #tpu.memory_space<vmem>>[vector<16xi32>], vector<16xi32>,
        %add3A_779 = arith.addi %gather3A_778, %gather3A_778 : vector<16xi32>
        %swap3A_780 = arith.index_cast %sub3A_658 : i32 to index
        %swap3A_781 = arith.constant 96 : index
        %swap3A_782 = tpu.vector_load %arg6[%swap3A_780, %swap3A_781] {strides = array<i32>} : memref<2x128xi32, #tpu.memory_space<vmem>>, vector<16xi32>,
        tpu.vector_store %arg6[%swap3A_780, %swap3A_781], %add3A_779 {strides = array<i32>} : memref<2x128xi32, #tpu.memory_space<vmem>>, vector<16xi32>,
        %mul3A_783 = arith.constant 128 : i32
        %mul3A_784 = arith.muli %select_n3A_682, %mul3A_783 : i32
        %add3A_785 = arith.constant 112 : i32
        %add3A_786 = arith.addi %mul3A_784, %add3A_785 : i32
        %mul3A_787 = arith.constant 20 : i32
        %mul3A_788 = arith.muli %add3A_786, %mul3A_787 : i32
        %add3A_789 = arith.addi %mul3A_788, %rem3A_684 : i32
        %add3A_790 = vector.broadcast %add3A_789 : i32 to vector<16xi32>
        %add3A_791 = arith.addi %add3A_790, %mul3A_5 : vector<16xi32>
        %gather3A_792 = tpu.vector_load_idx %arg5[%add3A_791] : memref<10240xi32, #tpu.memory_space<vmem>>[vector<16xi32>], vector<16xi32>,
        %add3A_793 = arith.addi %gather3A_792, %gather3A_792 : vector<16xi32>
        %swap3A_794 = arith.index_cast %sub3A_658 : i32 to index
        %swap3A_795 = arith.constant 112 : index
        %swap3A_796 = tpu.vector_load %arg6[%swap3A_794, %swap3A_795] {strides = array<i32>} : memref<2x128xi32, #tpu.memory_space<vmem>>, vector<16xi32>,
        tpu.vector_store %arg6[%swap3A_794, %swap3A_795], %add3A_793 {strides = array<i32>} : memref<2x128xi32, #tpu.memory_space<vmem>>, vector<16xi32>,
        %sub3A_797 = arith.constant 1 : i32
        %sub3A_798 = arith.subi %sub3A_797, %rem3A_440 : i32
        %mul3A_799 = arith.constant 128 : i32
        %mul3A_800 = arith.muli %sub3A_798, %mul3A_799 : i32
        %dma_start3A_801 = arith.constant 0 : i32
        %dma_start3A_802 = tpu.memref_slice %arg7[%mul3A_800, %dma_start3A_801] : memref<256x64xf32, #tpu.memory_space<vmem>> -> memref<128x64xf32, #tpu.memory_space<vmem>>
        %dma_start3A_803 = arith.constant 0 : i32
        %dma_start3A_804 = tpu.memref_slice %arg6[%sub3A_798, %dma_start3A_803] : memref<2x128xi32, #tpu.memory_space<vmem>> -> memref<1x128xi32, #tpu.memory_space<vmem>>
        %dma_start3A_805 = tpu.memref_squeeze %dma_start3A_804 : memref<1x128xi32, #tpu.memory_space<vmem>> -> memref<128xi32, #tpu.memory_space<vmem>>
        %dma_start3A_806 = arith.constant 0 : i32
        %dma_start3A_807 = arith.constant 0 : i32
        %dma_start3A_808 = tpu.memref_slice %arg2[%dma_start3A_806, %dma_start3A_807] : memref<200000x64xf32, #tpu.memory_space<hbm>> -> memref<200000x64xf32, #tpu.memory_space<hbm>>
        %dma_start3A_809 = tpu.memref_slice %arg9[%sub3A_798] : memref<2x!tpu.dma_semaphore, #tpu.memory_space<semaphore_mem>> -> memref<1x!tpu.dma_semaphore, #tpu.memory_space<semaphore_mem>>
        %dma_start3A_810 = tpu.memref_squeeze %dma_start3A_809 : memref<1x!tpu.dma_semaphore, #tpu.memory_space<semaphore_mem>> -> memref<!tpu.dma_semaphore, #tpu.memory_space<semaphore_mem>>
        tpu.enqueue_indirect_dma source(%dma_start3A_808 : memref<200000x64xf32, #tpu.memory_space<hbm>>) target(%dma_start3A_802 : memref<128x64xf32, #tpu.memory_space<vmem>>) offsets(%dma_start3A_805 : memref<128xi32, #tpu.memory_space<vmem>>) semaphore(%dma_start3A_810 : memref<!tpu.dma_semaphore, #tpu.memory_space<semaphore_mem>>)
      } else {
      }
      %mul3A_445 = arith.constant 128 : i32
      %mul3A_446 = arith.muli %rem3A_440, %mul3A_445 : i32
      %dma_wait3A_447 = arith.constant 0 : i32
      %dma_wait3A_448 = tpu.memref_slice %arg7[%mul3A_446, %dma_wait3A_447] : memref<256x64xf32, #tpu.memory_space<vmem>> -> memref<128x64xf32, #tpu.memory_space<vmem>>
      %dma_wait3A_449 = arith.constant 0 : i32
      %dma_wait3A_450 = tpu.memref_slice %arg6[%rem3A_440, %dma_wait3A_449] : memref<2x128xi32, #tpu.memory_space<vmem>> -> memref<1x128xi32, #tpu.memory_space<vmem>>
      %dma_wait3A_451 = tpu.memref_squeeze %dma_wait3A_450 : memref<1x128xi32, #tpu.memory_space<vmem>> -> memref<128xi32, #tpu.memory_space<vmem>>
      %dma_wait3A_452 = arith.constant 0 : i32
      %dma_wait3A_453 = arith.constant 0 : i32
      %dma_wait3A_454 = tpu.memref_slice %arg2[%dma_wait3A_452, %dma_wait3A_453] : memref<200000x64xf32, #tpu.memory_space<hbm>> -> memref<200000x64xf32, #tpu.memory_space<hbm>>
      %dma_wait3A_455 = tpu.memref_slice %arg9[%rem3A_440] : memref<2x!tpu.dma_semaphore, #tpu.memory_space<semaphore_mem>> -> memref<1x!tpu.dma_semaphore, #tpu.memory_space<semaphore_mem>>
      %dma_wait3A_456 = tpu.memref_squeeze %dma_wait3A_455 : memref<1x!tpu.dma_semaphore, #tpu.memory_space<semaphore_mem>> -> memref<!tpu.dma_semaphore, #tpu.memory_space<semaphore_mem>>
      tpu.wait_indirect_dma semaphore(%dma_wait3A_456 : memref<!tpu.dma_semaphore, #tpu.memory_space<semaphore_mem>>) src(%dma_wait3A_454 : memref<200000x64xf32, #tpu.memory_space<hbm>>) dst(%dma_wait3A_448 : memref<128x64xf32, #tpu.memory_space<vmem>>)
      %ge3A = arith.constant 2 : i32
      %ge3A_457 = arith.cmpi sge, %scan3A_438, %ge3A : i32
      %convert_element_type3A_458 = arith.extui %ge3A_457 : i1 to i32
      %cond3A_459 = arith.constant 0 : i32
      %cond3A_460 = arith.cmpi ne, %convert_element_type3A_458, %cond3A_459 : i32
      scf.if %cond3A_460 {
        %sub3A_655 = arith.constant 2 : i32
        %sub3A_656 = arith.subi %scan3A_438, %sub3A_655 : i32
        %jit3A_657 = arith.constant 20 : i32
        %div3A_658 = arith.divsi %sub3A_656, %jit3A_657 : i32
        %sign3A_659 = arith.constant 0 : i32
        %sign3A_660 = arith.cmpi sgt, %sub3A_656, %sign3A_659 : i32
        %sign3A_661 = arith.extui %sign3A_660 : i1 to i32
        %sign3A_662 = arith.constant 0 : i32
        %sign3A_663 = arith.cmpi slt, %sub3A_656, %sign3A_662 : i32
        %sign3A_664 = arith.extui %sign3A_663 : i1 to i32
        %sign3A_665 = arith.subi %sign3A_661, %sign3A_664 : i32
        %sign3A_666 = arith.constant 0 : i32
        %sign3A_667 = arith.cmpi sgt, %jit3A_657, %sign3A_666 : i32
        %sign3A_668 = arith.extui %sign3A_667 : i1 to i32
        %sign3A_669 = arith.constant 0 : i32
        %sign3A_670 = arith.cmpi slt, %jit3A_657, %sign3A_669 : i32
        %sign3A_671 = arith.extui %sign3A_670 : i1 to i32
        %sign3A_672 = arith.subi %sign3A_668, %sign3A_671 : i32
        %ne3A_673 = arith.cmpi ne, %sign3A_665, %sign3A_672 : i32
        %rem3A_674 = arith.remsi %sub3A_656, %jit3A_657 : i32
        %ne3A_675 = arith.constant 0 : i32
        %ne3A_676 = arith.cmpi ne, %rem3A_674, %ne3A_675 : i32
        %and3A_677 = arith.andi %ne3A_673, %ne3A_676 : i1
        %sub3A_678 = arith.constant 1 : i32
        %sub3A_679 = arith.subi %div3A_658, %sub3A_678 : i32
        %select_n3A_680 = arith.select %and3A_677, %sub3A_679, %div3A_658 : i32
        %rem3A_681 = arith.constant 20 : i32
        %rem3A_682 = arith.remsi %sub3A_656, %rem3A_681 : i32
        %mul3A_683 = arith.constant 4 : i32
        %mul3A_684 = arith.muli %add3A, %mul3A_683 : i32
        %add3A_685 = arith.addi %mul3A_684, %select_n3A_680 : i32
        %mul3A_686 = arith.constant 64 : i32
        %mul3A_687 = arith.muli %rem3A_440, %mul3A_686 : i32
        %add3A_688 = arith.constant 0 : i32
        %add3A_689 = arith.addi %mul3A_687, %add3A_688 : i32
        %mul3A_690 = arith.constant 64 : i32
        %mul3A_691 = arith.muli %rem3A_440, %mul3A_690 : i32
        %add3A_692 = arith.constant 8 : i32
        %add3A_693 = arith.addi %mul3A_691, %add3A_692 : i32
        %mul3A_694 = arith.constant 64 : i32
        %mul3A_695 = arith.muli %rem3A_440, %mul3A_694 : i32
        %add3A_696 = arith.constant 16 : i32
        %add3A_697 = arith.addi %mul3A_695, %add3A_696 : i32
        %mul3A_698 = arith.constant 64 : i32
        %mul3A_699 = arith.muli %rem3A_440, %mul3A_698 : i32
        %add3A_700 = arith.constant 24 : i32
        %add3A_701 = arith.addi %mul3A_699, %add3A_700 : i32
        %mul3A_702 = arith.constant 64 : i32
        %mul3A_703 = arith.muli %rem3A_440, %mul3A_702 : i32
        %add3A_704 = arith.constant 32 : i32
        %add3A_705 = arith.addi %mul3A_703, %add3A_704 : i32
        %mul3A_706 = arith.constant 64 : i32
        %mul3A_707 = arith.muli %rem3A_440, %mul3A_706 : i32
        %add3A_708 = arith.constant 40 : i32
        %add3A_709 = arith.addi %mul3A_707, %add3A_708 : i32
        %mul3A_710 = arith.constant 64 : i32
        %mul3A_711 = arith.muli %rem3A_440, %mul3A_710 : i32
        %add3A_712 = arith.constant 48 : i32
        %add3A_713 = arith.addi %mul3A_711, %add3A_712 : i32
        %mul3A_714 = arith.constant 64 : i32
        %mul3A_715 = arith.muli %rem3A_440, %mul3A_714 : i32
        %add3A_716 = arith.constant 56 : i32
        %add3A_717 = arith.addi %mul3A_715, %add3A_716 : i32
        %dma_wait3A_718 = arith.constant 0 : i32
        %dma_wait3A_719 = arith.constant 0 : i32
        %dma_wait3A_720 = tpu.memref_slice %arg8[%add3A_689, %dma_wait3A_719] : memref<128x129xf32, #tpu.memory_space<vmem>> -> memref<8x128xf32, #tpu.memory_space<vmem>>
        %dma_wait3A_721 = arith.constant 0 : i32
        %dma_wait3A_722 = arith.constant 0 : i32
        %dma_wait3A_723 = tpu.memref_slice %arg4[%rem3A_682, %dma_wait3A_718, %add3A_685, %dma_wait3A_721, %dma_wait3A_722] : memref<20x8x128x8x128xf32, #tpu.memory_space<hbm>> -> memref<1x1x1x8x128xf32, #tpu.memory_space<hbm>>
        %dma_wait3A_724 = tpu.memref_squeeze %dma_wait3A_723 : memref<1x1x1x8x128xf32, #tpu.memory_space<hbm>> -> memref<8x128xf32, #tpu.memory_space<hbm>>
        %dma_wait3A_725 = tpu.memref_slice %arg10[%rem3A_440] : memref<2x!tpu.dma_semaphore, #tpu.memory_space<semaphore_mem>> -> memref<1x!tpu.dma_semaphore, #tpu.memory_space<semaphore_mem>>
        %dma_wait3A_726 = tpu.memref_squeeze %dma_wait3A_725 : memref<1x!tpu.dma_semaphore, #tpu.memory_space<semaphore_mem>> -> memref<!tpu.dma_semaphore, #tpu.memory_space<semaphore_mem>>
        %dma_wait3A_727 = arith.constant 0 : i32
        %dma_wait3A_728 = arith.constant 0 : i32
        %dma_wait3A_729 = tpu.memref_slice %arg4[%rem3A_682, %dma_wait3A_718, %add3A_685, %dma_wait3A_727, %dma_wait3A_728] : memref<20x8x128x8x128xf32, #tpu.memory_space<hbm>> -> memref<1x1x1x8x128xf32, #tpu.memory_space<hbm>>
        %dma_wait3A_730 = tpu.memref_squeeze %dma_wait3A_729 : memref<1x1x1x8x128xf32, #tpu.memory_space<hbm>> -> memref<8x128xf32, #tpu.memory_space<hbm>>
        %dma_wait3A_731 = arith.constant 0 : i32
        %dma_wait3A_732 = tpu.memref_slice %arg8[%add3A_689, %dma_wait3A_731] : memref<128x129xf32, #tpu.memory_space<vmem>> -> memref<8x128xf32, #tpu.memory_space<vmem>>
        tpu.wait_dma2 semaphore(%dma_wait3A_726 : memref<!tpu.dma_semaphore, #tpu.memory_space<semaphore_mem>>) src(%dma_wait3A_732 : memref<8x128xf32, #tpu.memory_space<vmem>>) dst(%dma_wait3A_730 : memref<8x128xf32, #tpu.memory_space<hbm>>)
        %dma_wait3A_733 = arith.constant 1 : i32
        %dma_wait3A_734 = arith.constant 0 : i32
        %dma_wait3A_735 = tpu.memref_slice %arg8[%add3A_693, %dma_wait3A_734] : memref<128x129xf32, #tpu.memory_space<vmem>> -> memref<8x128xf32, #tpu.memory_space<vmem>>
        %dma_wait3A_736 = arith.constant 0 : i32
        %dma_wait3A_737 = arith.constant 0 : i32
        %dma_wait3A_738 = tpu.memref_slice %arg4[%rem3A_682, %dma_wait3A_733, %add3A_685, %dma_wait3A_736, %dma_wait3A_737] : memref<20x8x128x8x128xf32, #tpu.memory_space<hbm>> -> memref<1x1x1x8x128xf32, #tpu.memory_space<hbm>>
        %dma_wait3A_739 = tpu.memref_squeeze %dma_wait3A_738 : memref<1x1x1x8x128xf32, #tpu.memory_space<hbm>> -> memref<8x128xf32, #tpu.memory_space<hbm>>
        %dma_wait3A_740 = tpu.memref_slice %arg10[%rem3A_440] : memref<2x!tpu.dma_semaphore, #tpu.memory_space<semaphore_mem>> -> memref<1x!tpu.dma_semaphore, #tpu.memory_space<semaphore_mem>>
        %dma_wait3A_741 = tpu.memref_squeeze %dma_wait3A_740 : memref<1x!tpu.dma_semaphore, #tpu.memory_space<semaphore_mem>> -> memref<!tpu.dma_semaphore, #tpu.memory_space<semaphore_mem>>
        %dma_wait3A_742 = arith.constant 0 : i32
        %dma_wait3A_743 = arith.constant 0 : i32
        %dma_wait3A_744 = tpu.memref_slice %arg4[%rem3A_682, %dma_wait3A_733, %add3A_685, %dma_wait3A_742, %dma_wait3A_743] : memref<20x8x128x8x128xf32, #tpu.memory_space<hbm>> -> memref<1x1x1x8x128xf32, #tpu.memory_space<hbm>>
        %dma_wait3A_745 = tpu.memref_squeeze %dma_wait3A_744 : memref<1x1x1x8x128xf32, #tpu.memory_space<hbm>> -> memref<8x128xf32, #tpu.memory_space<hbm>>
        %dma_wait3A_746 = arith.constant 0 : i32
        %dma_wait3A_747 = tpu.memref_slice %arg8[%add3A_693, %dma_wait3A_746] : memref<128x129xf32, #tpu.memory_space<vmem>> -> memref<8x128xf32, #tpu.memory_space<vmem>>
        tpu.wait_dma2 semaphore(%dma_wait3A_741 : memref<!tpu.dma_semaphore, #tpu.memory_space<semaphore_mem>>) src(%dma_wait3A_747 : memref<8x128xf32, #tpu.memory_space<vmem>>) dst(%dma_wait3A_745 : memref<8x128xf32, #tpu.memory_space<hbm>>)
        %dma_wait3A_748 = arith.constant 2 : i32
        %dma_wait3A_749 = arith.constant 0 : i32
        %dma_wait3A_750 = tpu.memref_slice %arg8[%add3A_697, %dma_wait3A_749] : memref<128x129xf32, #tpu.memory_space<vmem>> -> memref<8x128xf32, #tpu.memory_space<vmem>>
        %dma_wait3A_751 = arith.constant 0 : i32
        %dma_wait3A_752 = arith.constant 0 : i32
        %dma_wait3A_753 = tpu.memref_slice %arg4[%rem3A_682, %dma_wait3A_748, %add3A_685, %dma_wait3A_751, %dma_wait3A_752] : memref<20x8x128x8x128xf32, #tpu.memory_space<hbm>> -> memref<1x1x1x8x128xf32, #tpu.memory_space<hbm>>
        %dma_wait3A_754 = tpu.memref_squeeze %dma_wait3A_753 : memref<1x1x1x8x128xf32, #tpu.memory_space<hbm>> -> memref<8x128xf32, #tpu.memory_space<hbm>>
        %dma_wait3A_755 = tpu.memref_slice %arg10[%rem3A_440] : memref<2x!tpu.dma_semaphore, #tpu.memory_space<semaphore_mem>> -> memref<1x!tpu.dma_semaphore, #tpu.memory_space<semaphore_mem>>
        %dma_wait3A_756 = tpu.memref_squeeze %dma_wait3A_755 : memref<1x!tpu.dma_semaphore, #tpu.memory_space<semaphore_mem>> -> memref<!tpu.dma_semaphore, #tpu.memory_space<semaphore_mem>>
        %dma_wait3A_757 = arith.constant 0 : i32
        %dma_wait3A_758 = arith.constant 0 : i32
        %dma_wait3A_759 = tpu.memref_slice %arg4[%rem3A_682, %dma_wait3A_748, %add3A_685, %dma_wait3A_757, %dma_wait3A_758] : memref<20x8x128x8x128xf32, #tpu.memory_space<hbm>> -> memref<1x1x1x8x128xf32, #tpu.memory_space<hbm>>
        %dma_wait3A_760 = tpu.memref_squeeze %dma_wait3A_759 : memref<1x1x1x8x128xf32, #tpu.memory_space<hbm>> -> memref<8x128xf32, #tpu.memory_space<hbm>>
        %dma_wait3A_761 = arith.constant 0 : i32
        %dma_wait3A_762 = tpu.memref_slice %arg8[%add3A_697, %dma_wait3A_761] : memref<128x129xf32, #tpu.memory_space<vmem>> -> memref<8x128xf32, #tpu.memory_space<vmem>>
        tpu.wait_dma2 semaphore(%dma_wait3A_756 : memref<!tpu.dma_semaphore, #tpu.memory_space<semaphore_mem>>) src(%dma_wait3A_762 : memref<8x128xf32, #tpu.memory_space<vmem>>) dst(%dma_wait3A_760 : memref<8x128xf32, #tpu.memory_space<hbm>>)
        %dma_wait3A_763 = arith.constant 3 : i32
        %dma_wait3A_764 = arith.constant 0 : i32
        %dma_wait3A_765 = tpu.memref_slice %arg8[%add3A_701, %dma_wait3A_764] : memref<128x129xf32, #tpu.memory_space<vmem>> -> memref<8x128xf32, #tpu.memory_space<vmem>>
        %dma_wait3A_766 = arith.constant 0 : i32
        %dma_wait3A_767 = arith.constant 0 : i32
        %dma_wait3A_768 = tpu.memref_slice %arg4[%rem3A_682, %dma_wait3A_763, %add3A_685, %dma_wait3A_766, %dma_wait3A_767] : memref<20x8x128x8x128xf32, #tpu.memory_space<hbm>> -> memref<1x1x1x8x128xf32, #tpu.memory_space<hbm>>
        %dma_wait3A_769 = tpu.memref_squeeze %dma_wait3A_768 : memref<1x1x1x8x128xf32, #tpu.memory_space<hbm>> -> memref<8x128xf32, #tpu.memory_space<hbm>>
        %dma_wait3A_770 = tpu.memref_slice %arg10[%rem3A_440] : memref<2x!tpu.dma_semaphore, #tpu.memory_space<semaphore_mem>> -> memref<1x!tpu.dma_semaphore, #tpu.memory_space<semaphore_mem>>
        %dma_wait3A_771 = tpu.memref_squeeze %dma_wait3A_770 : memref<1x!tpu.dma_semaphore, #tpu.memory_space<semaphore_mem>> -> memref<!tpu.dma_semaphore, #tpu.memory_space<semaphore_mem>>
        %dma_wait3A_772 = arith.constant 0 : i32
        %dma_wait3A_773 = arith.constant 0 : i32
        %dma_wait3A_774 = tpu.memref_slice %arg4[%rem3A_682, %dma_wait3A_763, %add3A_685, %dma_wait3A_772, %dma_wait3A_773] : memref<20x8x128x8x128xf32, #tpu.memory_space<hbm>> -> memref<1x1x1x8x128xf32, #tpu.memory_space<hbm>>
        %dma_wait3A_775 = tpu.memref_squeeze %dma_wait3A_774 : memref<1x1x1x8x128xf32, #tpu.memory_space<hbm>> -> memref<8x128xf32, #tpu.memory_space<hbm>>
        %dma_wait3A_776 = arith.constant 0 : i32
        %dma_wait3A_777 = tpu.memref_slice %arg8[%add3A_701, %dma_wait3A_776] : memref<128x129xf32, #tpu.memory_space<vmem>> -> memref<8x128xf32, #tpu.memory_space<vmem>>
        tpu.wait_dma2 semaphore(%dma_wait3A_771 : memref<!tpu.dma_semaphore, #tpu.memory_space<semaphore_mem>>) src(%dma_wait3A_777 : memref<8x128xf32, #tpu.memory_space<vmem>>) dst(%dma_wait3A_775 : memref<8x128xf32, #tpu.memory_space<hbm>>)
        %dma_wait3A_778 = arith.constant 4 : i32
        %dma_wait3A_779 = arith.constant 0 : i32
        %dma_wait3A_780 = tpu.memref_slice %arg8[%add3A_705, %dma_wait3A_779] : memref<128x129xf32, #tpu.memory_space<vmem>> -> memref<8x128xf32, #tpu.memory_space<vmem>>
        %dma_wait3A_781 = arith.constant 0 : i32
        %dma_wait3A_782 = arith.constant 0 : i32
        %dma_wait3A_783 = tpu.memref_slice %arg4[%rem3A_682, %dma_wait3A_778, %add3A_685, %dma_wait3A_781, %dma_wait3A_782] : memref<20x8x128x8x128xf32, #tpu.memory_space<hbm>> -> memref<1x1x1x8x128xf32, #tpu.memory_space<hbm>>
        %dma_wait3A_784 = tpu.memref_squeeze %dma_wait3A_783 : memref<1x1x1x8x128xf32, #tpu.memory_space<hbm>> -> memref<8x128xf32, #tpu.memory_space<hbm>>
        %dma_wait3A_785 = tpu.memref_slice %arg10[%rem3A_440] : memref<2x!tpu.dma_semaphore, #tpu.memory_space<semaphore_mem>> -> memref<1x!tpu.dma_semaphore, #tpu.memory_space<semaphore_mem>>
        %dma_wait3A_786 = tpu.memref_squeeze %dma_wait3A_785 : memref<1x!tpu.dma_semaphore, #tpu.memory_space<semaphore_mem>> -> memref<!tpu.dma_semaphore, #tpu.memory_space<semaphore_mem>>
        %dma_wait3A_787 = arith.constant 0 : i32
        %dma_wait3A_788 = arith.constant 0 : i32
        %dma_wait3A_789 = tpu.memref_slice %arg4[%rem3A_682, %dma_wait3A_778, %add3A_685, %dma_wait3A_787, %dma_wait3A_788] : memref<20x8x128x8x128xf32, #tpu.memory_space<hbm>> -> memref<1x1x1x8x128xf32, #tpu.memory_space<hbm>>
        %dma_wait3A_790 = tpu.memref_squeeze %dma_wait3A_789 : memref<1x1x1x8x128xf32, #tpu.memory_space<hbm>> -> memref<8x128xf32, #tpu.memory_space<hbm>>
        %dma_wait3A_791 = arith.constant 0 : i32
        %dma_wait3A_792 = tpu.memref_slice %arg8[%add3A_705, %dma_wait3A_791] : memref<128x129xf32, #tpu.memory_space<vmem>> -> memref<8x128xf32, #tpu.memory_space<vmem>>
        tpu.wait_dma2 semaphore(%dma_wait3A_786 : memref<!tpu.dma_semaphore, #tpu.memory_space<semaphore_mem>>) src(%dma_wait3A_792 : memref<8x128xf32, #tpu.memory_space<vmem>>) dst(%dma_wait3A_790 : memref<8x128xf32, #tpu.memory_space<hbm>>)
        %dma_wait3A_793 = arith.constant 5 : i32
        %dma_wait3A_794 = arith.constant 0 : i32
        %dma_wait3A_795 = tpu.memref_slice %arg8[%add3A_709, %dma_wait3A_794] : memref<128x129xf32, #tpu.memory_space<vmem>> -> memref<8x128xf32, #tpu.memory_space<vmem>>
        %dma_wait3A_796 = arith.constant 0 : i32
        %dma_wait3A_797 = arith.constant 0 : i32
        %dma_wait3A_798 = tpu.memref_slice %arg4[%rem3A_682, %dma_wait3A_793, %add3A_685, %dma_wait3A_796, %dma_wait3A_797] : memref<20x8x128x8x128xf32, #tpu.memory_space<hbm>> -> memref<1x1x1x8x128xf32, #tpu.memory_space<hbm>>
        %dma_wait3A_799 = tpu.memref_squeeze %dma_wait3A_798 : memref<1x1x1x8x128xf32, #tpu.memory_space<hbm>> -> memref<8x128xf32, #tpu.memory_space<hbm>>
        %dma_wait3A_800 = tpu.memref_slice %arg10[%rem3A_440] : memref<2x!tpu.dma_semaphore, #tpu.memory_space<semaphore_mem>> -> memref<1x!tpu.dma_semaphore, #tpu.memory_space<semaphore_mem>>
        %dma_wait3A_801 = tpu.memref_squeeze %dma_wait3A_800 : memref<1x!tpu.dma_semaphore, #tpu.memory_space<semaphore_mem>> -> memref<!tpu.dma_semaphore, #tpu.memory_space<semaphore_mem>>
        %dma_wait3A_802 = arith.constant 0 : i32
        %dma_wait3A_803 = arith.constant 0 : i32
        %dma_wait3A_804 = tpu.memref_slice %arg4[%rem3A_682, %dma_wait3A_793, %add3A_685, %dma_wait3A_802, %dma_wait3A_803] : memref<20x8x128x8x128xf32, #tpu.memory_space<hbm>> -> memref<1x1x1x8x128xf32, #tpu.memory_space<hbm>>
        %dma_wait3A_805 = tpu.memref_squeeze %dma_wait3A_804 : memref<1x1x1x8x128xf32, #tpu.memory_space<hbm>> -> memref<8x128xf32, #tpu.memory_space<hbm>>
        %dma_wait3A_806 = arith.constant 0 : i32
        %dma_wait3A_807 = tpu.memref_slice %arg8[%add3A_709, %dma_wait3A_806] : memref<128x129xf32, #tpu.memory_space<vmem>> -> memref<8x128xf32, #tpu.memory_space<vmem>>
        tpu.wait_dma2 semaphore(%dma_wait3A_801 : memref<!tpu.dma_semaphore, #tpu.memory_space<semaphore_mem>>) src(%dma_wait3A_807 : memref<8x128xf32, #tpu.memory_space<vmem>>) dst(%dma_wait3A_805 : memref<8x128xf32, #tpu.memory_space<hbm>>)
        %dma_wait3A_808 = arith.constant 6 : i32
        %dma_wait3A_809 = arith.constant 0 : i32
        %dma_wait3A_810 = tpu.memref_slice %arg8[%add3A_713, %dma_wait3A_809] : memref<128x129xf32, #tpu.memory_space<vmem>> -> memref<8x128xf32, #tpu.memory_space<vmem>>
        %dma_wait3A_811 = arith.constant 0 : i32
        %dma_wait3A_812 = arith.constant 0 : i32
        %dma_wait3A_813 = tpu.memref_slice %arg4[%rem3A_682, %dma_wait3A_808, %add3A_685, %dma_wait3A_811, %dma_wait3A_812] : memref<20x8x128x8x128xf32, #tpu.memory_space<hbm>> -> memref<1x1x1x8x128xf32, #tpu.memory_space<hbm>>
        %dma_wait3A_814 = tpu.memref_squeeze %dma_wait3A_813 : memref<1x1x1x8x128xf32, #tpu.memory_space<hbm>> -> memref<8x128xf32, #tpu.memory_space<hbm>>
        %dma_wait3A_815 = tpu.memref_slice %arg10[%rem3A_440] : memref<2x!tpu.dma_semaphore, #tpu.memory_space<semaphore_mem>> -> memref<1x!tpu.dma_semaphore, #tpu.memory_space<semaphore_mem>>
        %dma_wait3A_816 = tpu.memref_squeeze %dma_wait3A_815 : memref<1x!tpu.dma_semaphore, #tpu.memory_space<semaphore_mem>> -> memref<!tpu.dma_semaphore, #tpu.memory_space<semaphore_mem>>
        %dma_wait3A_817 = arith.constant 0 : i32
        %dma_wait3A_818 = arith.constant 0 : i32
        %dma_wait3A_819 = tpu.memref_slice %arg4[%rem3A_682, %dma_wait3A_808, %add3A_685, %dma_wait3A_817, %dma_wait3A_818] : memref<20x8x128x8x128xf32, #tpu.memory_space<hbm>> -> memref<1x1x1x8x128xf32, #tpu.memory_space<hbm>>
        %dma_wait3A_820 = tpu.memref_squeeze %dma_wait3A_819 : memref<1x1x1x8x128xf32, #tpu.memory_space<hbm>> -> memref<8x128xf32, #tpu.memory_space<hbm>>
        %dma_wait3A_821 = arith.constant 0 : i32
        %dma_wait3A_822 = tpu.memref_slice %arg8[%add3A_713, %dma_wait3A_821] : memref<128x129xf32, #tpu.memory_space<vmem>> -> memref<8x128xf32, #tpu.memory_space<vmem>>
        tpu.wait_dma2 semaphore(%dma_wait3A_816 : memref<!tpu.dma_semaphore, #tpu.memory_space<semaphore_mem>>) src(%dma_wait3A_822 : memref<8x128xf32, #tpu.memory_space<vmem>>) dst(%dma_wait3A_820 : memref<8x128xf32, #tpu.memory_space<hbm>>)
        %dma_wait3A_823 = arith.constant 7 : i32
        %dma_wait3A_824 = arith.constant 0 : i32
        %dma_wait3A_825 = tpu.memref_slice %arg8[%add3A_717, %dma_wait3A_824] : memref<128x129xf32, #tpu.memory_space<vmem>> -> memref<8x128xf32, #tpu.memory_space<vmem>>
        %dma_wait3A_826 = arith.constant 0 : i32
        %dma_wait3A_827 = arith.constant 0 : i32
        %dma_wait3A_828 = tpu.memref_slice %arg4[%rem3A_682, %dma_wait3A_823, %add3A_685, %dma_wait3A_826, %dma_wait3A_827] : memref<20x8x128x8x128xf32, #tpu.memory_space<hbm>> -> memref<1x1x1x8x128xf32, #tpu.memory_space<hbm>>
        %dma_wait3A_829 = tpu.memref_squeeze %dma_wait3A_828 : memref<1x1x1x8x128xf32, #tpu.memory_space<hbm>> -> memref<8x128xf32, #tpu.memory_space<hbm>>
        %dma_wait3A_830 = tpu.memref_slice %arg10[%rem3A_440] : memref<2x!tpu.dma_semaphore, #tpu.memory_space<semaphore_mem>> -> memref<1x!tpu.dma_semaphore, #tpu.memory_space<semaphore_mem>>
        %dma_wait3A_831 = tpu.memref_squeeze %dma_wait3A_830 : memref<1x!tpu.dma_semaphore, #tpu.memory_space<semaphore_mem>> -> memref<!tpu.dma_semaphore, #tpu.memory_space<semaphore_mem>>
        %dma_wait3A_832 = arith.constant 0 : i32
        %dma_wait3A_833 = arith.constant 0 : i32
        %dma_wait3A_834 = tpu.memref_slice %arg4[%rem3A_682, %dma_wait3A_823, %add3A_685, %dma_wait3A_832, %dma_wait3A_833] : memref<20x8x128x8x128xf32, #tpu.memory_space<hbm>> -> memref<1x1x1x8x128xf32, #tpu.memory_space<hbm>>
        %dma_wait3A_835 = tpu.memref_squeeze %dma_wait3A_834 : memref<1x1x1x8x128xf32, #tpu.memory_space<hbm>> -> memref<8x128xf32, #tpu.memory_space<hbm>>
        %dma_wait3A_836 = arith.constant 0 : i32
        %dma_wait3A_837 = tpu.memref_slice %arg8[%add3A_717, %dma_wait3A_836] : memref<128x129xf32, #tpu.memory_space<vmem>> -> memref<8x128xf32, #tpu.memory_space<vmem>>
        tpu.wait_dma2 semaphore(%dma_wait3A_831 : memref<!tpu.dma_semaphore, #tpu.memory_space<semaphore_mem>>) src(%dma_wait3A_837 : memref<8x128xf32, #tpu.memory_space<vmem>>) dst(%dma_wait3A_835 : memref<8x128xf32, #tpu.memory_space<hbm>>)
      } else {
      }
      %mul3A_461 = arith.constant 128 : i32
      %mul3A_462 = arith.muli %rem3A_440, %mul3A_461 : i32
      %mul3A_463 = arith.constant 64 : i32
      %mul3A_464 = arith.muli %rem3A_440, %mul3A_463 : i32
      %add3A_465 = vector.broadcast %mul3A_464 : i32 to vector<16xi32>
      %add3A_466 = arith.addi %add3A_8, %add3A_465 : vector<16xi32>
      %mul3A_467 = arith.constant 64 : i32
      %mul3A_468 = arith.muli %rem3A_440, %mul3A_467 : i32
      %add3A_469 = vector.broadcast %mul3A_468 : i32 to vector<16xi32>
      %add3A_470 = arith.addi %add3A_11, %add3A_469 : vector<16xi32>
      %mul3A_471 = arith.constant 64 : i32
      %mul3A_472 = arith.muli %rem3A_440, %mul3A_471 : i32
      %add3A_473 = vector.broadcast %mul3A_472 : i32 to vector<16xi32>
      %add3A_474 = arith.addi %add3A_14, %add3A_473 : vector<16xi32>
      %mul3A_475 = arith.constant 64 : i32
      %mul3A_476 = arith.muli %rem3A_440, %mul3A_475 : i32
      %add3A_477 = vector.broadcast %mul3A_476 : i32 to vector<16xi32>
      %add3A_478 = arith.addi %add3A_17, %add3A_477 : vector<16xi32>
      %parallel_loop3A = arith.constant 0 : i32
      %parallel_loop3A_479 = arith.constant 128 : i32
      %parallel_loop3A_480 = arith.constant 1 : i32
      scf.for %parallel_loop3A_655 = %parallel_loop3A to %parallel_loop3A_479 step %parallel_loop3A_480  : i32 {
        %parallel_loop3A_656 = arith.addi %mul3A_462, %parallel_loop3A_655 : i32
        %parallel_loop3A_657 = vector.broadcast %parallel_loop3A_655 : i32 to vector<16xi32>
        %parallel_loop3A_658 = arith.index_cast %parallel_loop3A_656 : i32 to index
        %parallel_loop3A_659 = arith.constant 0 : index
        %parallel_loop3A_660 = tpu.vector_load %arg7[%parallel_loop3A_658, %parallel_loop3A_659] {strides = array<i32>} : memref<256x64xf32, #tpu.memory_space<vmem>>, vector<16xf32>,
        tpu.vector_store_idx %arg8[%add3A_466, %parallel_loop3A_657], %parallel_loop3A_660 : memref<128x129xf32, #tpu.memory_space<vmem>>[vector<16xi32>, vector<16xi32>], vector<16xf32>,
        %parallel_loop3A_661 = arith.index_cast %parallel_loop3A_656 : i32 to index
        %parallel_loop3A_662 = arith.constant 16 : index
        %parallel_loop3A_663 = tpu.vector_load %arg7[%parallel_loop3A_661, %parallel_loop3A_662] {strides = array<i32>} : memref<256x64xf32, #tpu.memory_space<vmem>>, vector<16xf32>,
        tpu.vector_store_idx %arg8[%add3A_470, %parallel_loop3A_657], %parallel_loop3A_663 : memref<128x129xf32, #tpu.memory_space<vmem>>[vector<16xi32>, vector<16xi32>], vector<16xf32>,
        %parallel_loop3A_664 = arith.index_cast %parallel_loop3A_656 : i32 to index
        %parallel_loop3A_665 = arith.constant 32 : index
        %parallel_loop3A_666 = tpu.vector_load %arg7[%parallel_loop3A_664, %parallel_loop3A_665] {strides = array<i32>} : memref<256x64xf32, #tpu.memory_space<vmem>>, vector<16xf32>,
        tpu.vector_store_idx %arg8[%add3A_474, %parallel_loop3A_657], %parallel_loop3A_666 : memref<128x129xf32, #tpu.memory_space<vmem>>[vector<16xi32>, vector<16xi32>], vector<16xf32>,
        %parallel_loop3A_667 = arith.index_cast %parallel_loop3A_656 : i32 to index
        %parallel_loop3A_668 = arith.constant 48 : index
        %parallel_loop3A_669 = tpu.vector_load %arg7[%parallel_loop3A_667, %parallel_loop3A_668] {strides = array<i32>} : memref<256x64xf32, #tpu.memory_space<vmem>>, vector<16xf32>,
        tpu.vector_store_idx %arg8[%add3A_478, %parallel_loop3A_657], %parallel_loop3A_669 : memref<128x129xf32, #tpu.memory_space<vmem>>[vector<16xi32>, vector<16xi32>], vector<16xf32>,
      } {sc.loop_unroll_factor = 8 : i64, sc.parallel_access}
      %jit3A = arith.constant 20 : i32
      %div3A = arith.divsi %scan3A_438, %jit3A : i32
      %sign3A = arith.constant 0 : i32
      %sign3A_481 = arith.cmpi sgt, %scan3A_438, %sign3A : i32
      %sign3A_482 = arith.extui %sign3A_481 : i1 to i32
      %sign3A_483 = arith.constant 0 : i32
      %sign3A_484 = arith.cmpi slt, %scan3A_438, %sign3A_483 : i32
      %sign3A_485 = arith.extui %sign3A_484 : i1 to i32
      %sign3A_486 = arith.subi %sign3A_482, %sign3A_485 : i32
      %sign3A_487 = arith.constant 0 : i32
      %sign3A_488 = arith.cmpi sgt, %jit3A, %sign3A_487 : i32
      %sign3A_489 = arith.extui %sign3A_488 : i1 to i32
      %sign3A_490 = arith.constant 0 : i32
      %sign3A_491 = arith.cmpi slt, %jit3A, %sign3A_490 : i32
      %sign3A_492 = arith.extui %sign3A_491 : i1 to i32
      %sign3A_493 = arith.subi %sign3A_489, %sign3A_492 : i32
      %ne3A = arith.cmpi ne, %sign3A_486, %sign3A_493 : i32
      %rem3A_494 = arith.remsi %scan3A_438, %jit3A : i32
      %ne3A_495 = arith.constant 0 : i32
      %ne3A_496 = arith.cmpi ne, %rem3A_494, %ne3A_495 : i32
      %and3A = arith.andi %ne3A, %ne3A_496 : i1
      %sub3A = arith.constant 1 : i32
      %sub3A_497 = arith.subi %div3A, %sub3A : i32
      %select_n3A = arith.select %and3A, %sub3A_497, %div3A : i32
      %rem3A_498 = arith.constant 20 : i32
      %rem3A_499 = arith.remsi %scan3A_438, %rem3A_498 : i32
      %mul3A_500 = arith.constant 4 : i32
      %mul3A_501 = arith.muli %add3A, %mul3A_500 : i32
      %add3A_502 = arith.addi %mul3A_501, %select_n3A : i32
      %mul3A_503 = arith.constant 64 : i32
      %mul3A_504 = arith.muli %rem3A_440, %mul3A_503 : i32
      %add3A_505 = arith.constant 0 : i32
      %add3A_506 = arith.addi %mul3A_504, %add3A_505 : i32
      %mul3A_507 = arith.constant 64 : i32
      %mul3A_508 = arith.muli %rem3A_440, %mul3A_507 : i32
      %add3A_509 = arith.constant 8 : i32
      %add3A_510 = arith.addi %mul3A_508, %add3A_509 : i32
      %mul3A_511 = arith.constant 64 : i32
      %mul3A_512 = arith.muli %rem3A_440, %mul3A_511 : i32
      %add3A_513 = arith.constant 16 : i32
      %add3A_514 = arith.addi %mul3A_512, %add3A_513 : i32
      %mul3A_515 = arith.constant 64 : i32
      %mul3A_516 = arith.muli %rem3A_440, %mul3A_515 : i32
      %add3A_517 = arith.constant 24 : i32
      %add3A_518 = arith.addi %mul3A_516, %add3A_517 : i32
      %mul3A_519 = arith.constant 64 : i32
      %mul3A_520 = arith.muli %rem3A_440, %mul3A_519 : i32
      %add3A_521 = arith.constant 32 : i32
      %add3A_522 = arith.addi %mul3A_520, %add3A_521 : i32
      %mul3A_523 = arith.constant 64 : i32
      %mul3A_524 = arith.muli %rem3A_440, %mul3A_523 : i32
      %add3A_525 = arith.constant 40 : i32
      %add3A_526 = arith.addi %mul3A_524, %add3A_525 : i32
      %mul3A_527 = arith.constant 64 : i32
      %mul3A_528 = arith.muli %rem3A_440, %mul3A_527 : i32
      %add3A_529 = arith.constant 48 : i32
      %add3A_530 = arith.addi %mul3A_528, %add3A_529 : i32
      %mul3A_531 = arith.constant 64 : i32
      %mul3A_532 = arith.muli %rem3A_440, %mul3A_531 : i32
      %add3A_533 = arith.constant 56 : i32
      %add3A_534 = arith.addi %mul3A_532, %add3A_533 : i32
      %dma_start3A_535 = arith.constant 0 : i32
      %dma_start3A_536 = arith.constant 0 : i32
      %dma_start3A_537 = tpu.memref_slice %arg8[%add3A_506, %dma_start3A_536] : memref<128x129xf32, #tpu.memory_space<vmem>> -> memref<8x128xf32, #tpu.memory_space<vmem>>
      %dma_start3A_538 = arith.constant 0 : i32
      %dma_start3A_539 = arith.constant 0 : i32
      %dma_start3A_540 = tpu.memref_slice %arg4[%rem3A_499, %dma_start3A_535, %add3A_502, %dma_start3A_538, %dma_start3A_539] : memref<20x8x128x8x128xf32, #tpu.memory_space<hbm>> -> memref<1x1x1x8x128xf32, #tpu.memory_space<hbm>>
      %dma_start3A_541 = tpu.memref_squeeze %dma_start3A_540 : memref<1x1x1x8x128xf32, #tpu.memory_space<hbm>> -> memref<8x128xf32, #tpu.memory_space<hbm>>
      %dma_start3A_542 = tpu.memref_slice %arg10[%rem3A_440] : memref<2x!tpu.dma_semaphore, #tpu.memory_space<semaphore_mem>> -> memref<1x!tpu.dma_semaphore, #tpu.memory_space<semaphore_mem>>
      %dma_start3A_543 = tpu.memref_squeeze %dma_start3A_542 : memref<1x!tpu.dma_semaphore, #tpu.memory_space<semaphore_mem>> -> memref<!tpu.dma_semaphore, #tpu.memory_space<semaphore_mem>>
      %dma_start3A_544 = arith.constant 0 : i32
      %dma_start3A_545 = arith.constant 0 : i32
      %dma_start3A_546 = tpu.memref_slice %arg4[%rem3A_499, %dma_start3A_535, %add3A_502, %dma_start3A_544, %dma_start3A_545] : memref<20x8x128x8x128xf32, #tpu.memory_space<hbm>> -> memref<1x1x1x8x128xf32, #tpu.memory_space<hbm>>
      %dma_start3A_547 = tpu.memref_squeeze %dma_start3A_546 : memref<1x1x1x8x128xf32, #tpu.memory_space<hbm>> -> memref<8x128xf32, #tpu.memory_space<hbm>>
      %dma_start3A_548 = arith.constant 0 : i32
      %dma_start3A_549 = tpu.memref_slice %arg8[%add3A_506, %dma_start3A_548] : memref<128x129xf32, #tpu.memory_space<vmem>> -> memref<8x128xf32, #tpu.memory_space<vmem>>
      tpu.enqueue_dma source(%dma_start3A_549 : memref<8x128xf32, #tpu.memory_space<vmem>>) target(%dma_start3A_547 : memref<8x128xf32, #tpu.memory_space<hbm>>) target_semaphore(%dma_start3A_543 : memref<!tpu.dma_semaphore, #tpu.memory_space<semaphore_mem>>)
      %dma_start3A_550 = arith.constant 1 : i32
      %dma_start3A_551 = arith.constant 0 : i32
      %dma_start3A_552 = tpu.memref_slice %arg8[%add3A_510, %dma_start3A_551] : memref<128x129xf32, #tpu.memory_space<vmem>> -> memref<8x128xf32, #tpu.memory_space<vmem>>
      %dma_start3A_553 = arith.constant 0 : i32
      %dma_start3A_554 = arith.constant 0 : i32
      %dma_start3A_555 = tpu.memref_slice %arg4[%rem3A_499, %dma_start3A_550, %add3A_502, %dma_start3A_553, %dma_start3A_554] : memref<20x8x128x8x128xf32, #tpu.memory_space<hbm>> -> memref<1x1x1x8x128xf32, #tpu.memory_space<hbm>>
      %dma_start3A_556 = tpu.memref_squeeze %dma_start3A_555 : memref<1x1x1x8x128xf32, #tpu.memory_space<hbm>> -> memref<8x128xf32, #tpu.memory_space<hbm>>
      %dma_start3A_557 = tpu.memref_slice %arg10[%rem3A_440] : memref<2x!tpu.dma_semaphore, #tpu.memory_space<semaphore_mem>> -> memref<1x!tpu.dma_semaphore, #tpu.memory_space<semaphore_mem>>
      %dma_start3A_558 = tpu.memref_squeeze %dma_start3A_557 : memref<1x!tpu.dma_semaphore, #tpu.memory_space<semaphore_mem>> -> memref<!tpu.dma_semaphore, #tpu.memory_space<semaphore_mem>>
      %dma_start3A_559 = arith.constant 0 : i32
      %dma_start3A_560 = arith.constant 0 : i32
      %dma_start3A_561 = tpu.memref_slice %arg4[%rem3A_499, %dma_start3A_550, %add3A_502, %dma_start3A_559, %dma_start3A_560] : memref<20x8x128x8x128xf32, #tpu.memory_space<hbm>> -> memref<1x1x1x8x128xf32, #tpu.memory_space<hbm>>
      %dma_start3A_562 = tpu.memref_squeeze %dma_start3A_561 : memref<1x1x1x8x128xf32, #tpu.memory_space<hbm>> -> memref<8x128xf32, #tpu.memory_space<hbm>>
      %dma_start3A_563 = arith.constant 0 : i32
      %dma_start3A_564 = tpu.memref_slice %arg8[%add3A_510, %dma_start3A_563] : memref<128x129xf32, #tpu.memory_space<vmem>> -> memref<8x128xf32, #tpu.memory_space<vmem>>
      tpu.enqueue_dma source(%dma_start3A_564 : memref<8x128xf32, #tpu.memory_space<vmem>>) target(%dma_start3A_562 : memref<8x128xf32, #tpu.memory_space<hbm>>) target_semaphore(%dma_start3A_558 : memref<!tpu.dma_semaphore, #tpu.memory_space<semaphore_mem>>)
      %dma_start3A_565 = arith.constant 2 : i32
      %dma_start3A_566 = arith.constant 0 : i32
      %dma_start3A_567 = tpu.memref_slice %arg8[%add3A_514, %dma_start3A_566] : memref<128x129xf32, #tpu.memory_space<vmem>> -> memref<8x128xf32, #tpu.memory_space<vmem>>
      %dma_start3A_568 = arith.constant 0 : i32
      %dma_start3A_569 = arith.constant 0 : i32
      %dma_start3A_570 = tpu.memref_slice %arg4[%rem3A_499, %dma_start3A_565, %add3A_502, %dma_start3A_568, %dma_start3A_569] : memref<20x8x128x8x128xf32, #tpu.memory_space<hbm>> -> memref<1x1x1x8x128xf32, #tpu.memory_space<hbm>>
      %dma_start3A_571 = tpu.memref_squeeze %dma_start3A_570 : memref<1x1x1x8x128xf32, #tpu.memory_space<hbm>> -> memref<8x128xf32, #tpu.memory_space<hbm>>
      %dma_start3A_572 = tpu.memref_slice %arg10[%rem3A_440] : memref<2x!tpu.dma_semaphore, #tpu.memory_space<semaphore_mem>> -> memref<1x!tpu.dma_semaphore, #tpu.memory_space<semaphore_mem>>
      %dma_start3A_573 = tpu.memref_squeeze %dma_start3A_572 : memref<1x!tpu.dma_semaphore, #tpu.memory_space<semaphore_mem>> -> memref<!tpu.dma_semaphore, #tpu.memory_space<semaphore_mem>>
      %dma_start3A_574 = arith.constant 0 : i32
      %dma_start3A_575 = arith.constant 0 : i32
      %dma_start3A_576 = tpu.memref_slice %arg4[%rem3A_499, %dma_start3A_565, %add3A_502, %dma_start3A_574, %dma_start3A_575] : memref<20x8x128x8x128xf32, #tpu.memory_space<hbm>> -> memref<1x1x1x8x128xf32, #tpu.memory_space<hbm>>
      %dma_start3A_577 = tpu.memref_squeeze %dma_start3A_576 : memref<1x1x1x8x128xf32, #tpu.memory_space<hbm>> -> memref<8x128xf32, #tpu.memory_space<hbm>>
      %dma_start3A_578 = arith.constant 0 : i32
      %dma_start3A_579 = tpu.memref_slice %arg8[%add3A_514, %dma_start3A_578] : memref<128x129xf32, #tpu.memory_space<vmem>> -> memref<8x128xf32, #tpu.memory_space<vmem>>
      tpu.enqueue_dma source(%dma_start3A_579 : memref<8x128xf32, #tpu.memory_space<vmem>>) target(%dma_start3A_577 : memref<8x128xf32, #tpu.memory_space<hbm>>) target_semaphore(%dma_start3A_573 : memref<!tpu.dma_semaphore, #tpu.memory_space<semaphore_mem>>)
      %dma_start3A_580 = arith.constant 3 : i32
      %dma_start3A_581 = arith.constant 0 : i32
      %dma_start3A_582 = tpu.memref_slice %arg8[%add3A_518, %dma_start3A_581] : memref<128x129xf32, #tpu.memory_space<vmem>> -> memref<8x128xf32, #tpu.memory_space<vmem>>
      %dma_start3A_583 = arith.constant 0 : i32
      %dma_start3A_584 = arith.constant 0 : i32
      %dma_start3A_585 = tpu.memref_slice %arg4[%rem3A_499, %dma_start3A_580, %add3A_502, %dma_start3A_583, %dma_start3A_584] : memref<20x8x128x8x128xf32, #tpu.memory_space<hbm>> -> memref<1x1x1x8x128xf32, #tpu.memory_space<hbm>>
      %dma_start3A_586 = tpu.memref_squeeze %dma_start3A_585 : memref<1x1x1x8x128xf32, #tpu.memory_space<hbm>> -> memref<8x128xf32, #tpu.memory_space<hbm>>
      %dma_start3A_587 = tpu.memref_slice %arg10[%rem3A_440] : memref<2x!tpu.dma_semaphore, #tpu.memory_space<semaphore_mem>> -> memref<1x!tpu.dma_semaphore, #tpu.memory_space<semaphore_mem>>
      %dma_start3A_588 = tpu.memref_squeeze %dma_start3A_587 : memref<1x!tpu.dma_semaphore, #tpu.memory_space<semaphore_mem>> -> memref<!tpu.dma_semaphore, #tpu.memory_space<semaphore_mem>>
      %dma_start3A_589 = arith.constant 0 : i32
      %dma_start3A_590 = arith.constant 0 : i32
      %dma_start3A_591 = tpu.memref_slice %arg4[%rem3A_499, %dma_start3A_580, %add3A_502, %dma_start3A_589, %dma_start3A_590] : memref<20x8x128x8x128xf32, #tpu.memory_space<hbm>> -> memref<1x1x1x8x128xf32, #tpu.memory_space<hbm>>
      %dma_start3A_592 = tpu.memref_squeeze %dma_start3A_591 : memref<1x1x1x8x128xf32, #tpu.memory_space<hbm>> -> memref<8x128xf32, #tpu.memory_space<hbm>>
      %dma_start3A_593 = arith.constant 0 : i32
      %dma_start3A_594 = tpu.memref_slice %arg8[%add3A_518, %dma_start3A_593] : memref<128x129xf32, #tpu.memory_space<vmem>> -> memref<8x128xf32, #tpu.memory_space<vmem>>
      tpu.enqueue_dma source(%dma_start3A_594 : memref<8x128xf32, #tpu.memory_space<vmem>>) target(%dma_start3A_592 : memref<8x128xf32, #tpu.memory_space<hbm>>) target_semaphore(%dma_start3A_588 : memref<!tpu.dma_semaphore, #tpu.memory_space<semaphore_mem>>)
      %dma_start3A_595 = arith.constant 4 : i32
      %dma_start3A_596 = arith.constant 0 : i32
      %dma_start3A_597 = tpu.memref_slice %arg8[%add3A_522, %dma_start3A_596] : memref<128x129xf32, #tpu.memory_space<vmem>> -> memref<8x128xf32, #tpu.memory_space<vmem>>
      %dma_start3A_598 = arith.constant 0 : i32
      %dma_start3A_599 = arith.constant 0 : i32
      %dma_start3A_600 = tpu.memref_slice %arg4[%rem3A_499, %dma_start3A_595, %add3A_502, %dma_start3A_598, %dma_start3A_599] : memref<20x8x128x8x128xf32, #tpu.memory_space<hbm>> -> memref<1x1x1x8x128xf32, #tpu.memory_space<hbm>>
      %dma_start3A_601 = tpu.memref_squeeze %dma_start3A_600 : memref<1x1x1x8x128xf32, #tpu.memory_space<hbm>> -> memref<8x128xf32, #tpu.memory_space<hbm>>
      %dma_start3A_602 = tpu.memref_slice %arg10[%rem3A_440] : memref<2x!tpu.dma_semaphore, #tpu.memory_space<semaphore_mem>> -> memref<1x!tpu.dma_semaphore, #tpu.memory_space<semaphore_mem>>
      %dma_start3A_603 = tpu.memref_squeeze %dma_start3A_602 : memref<1x!tpu.dma_semaphore, #tpu.memory_space<semaphore_mem>> -> memref<!tpu.dma_semaphore, #tpu.memory_space<semaphore_mem>>
      %dma_start3A_604 = arith.constant 0 : i32
      %dma_start3A_605 = arith.constant 0 : i32
      %dma_start3A_606 = tpu.memref_slice %arg4[%rem3A_499, %dma_start3A_595, %add3A_502, %dma_start3A_604, %dma_start3A_605] : memref<20x8x128x8x128xf32, #tpu.memory_space<hbm>> -> memref<1x1x1x8x128xf32, #tpu.memory_space<hbm>>
      %dma_start3A_607 = tpu.memref_squeeze %dma_start3A_606 : memref<1x1x1x8x128xf32, #tpu.memory_space<hbm>> -> memref<8x128xf32, #tpu.memory_space<hbm>>
      %dma_start3A_608 = arith.constant 0 : i32
      %dma_start3A_609 = tpu.memref_slice %arg8[%add3A_522, %dma_start3A_608] : memref<128x129xf32, #tpu.memory_space<vmem>> -> memref<8x128xf32, #tpu.memory_space<vmem>>
      tpu.enqueue_dma source(%dma_start3A_609 : memref<8x128xf32, #tpu.memory_space<vmem>>) target(%dma_start3A_607 : memref<8x128xf32, #tpu.memory_space<hbm>>) target_semaphore(%dma_start3A_603 : memref<!tpu.dma_semaphore, #tpu.memory_space<semaphore_mem>>)
      %dma_start3A_610 = arith.constant 5 : i32
      %dma_start3A_611 = arith.constant 0 : i32
      %dma_start3A_612 = tpu.memref_slice %arg8[%add3A_526, %dma_start3A_611] : memref<128x129xf32, #tpu.memory_space<vmem>> -> memref<8x128xf32, #tpu.memory_space<vmem>>
      %dma_start3A_613 = arith.constant 0 : i32
      %dma_start3A_614 = arith.constant 0 : i32
      %dma_start3A_615 = tpu.memref_slice %arg4[%rem3A_499, %dma_start3A_610, %add3A_502, %dma_start3A_613, %dma_start3A_614] : memref<20x8x128x8x128xf32, #tpu.memory_space<hbm>> -> memref<1x1x1x8x128xf32, #tpu.memory_space<hbm>>
      %dma_start3A_616 = tpu.memref_squeeze %dma_start3A_615 : memref<1x1x1x8x128xf32, #tpu.memory_space<hbm>> -> memref<8x128xf32, #tpu.memory_space<hbm>>
      %dma_start3A_617 = tpu.memref_slice %arg10[%rem3A_440] : memref<2x!tpu.dma_semaphore, #tpu.memory_space<semaphore_mem>> -> memref<1x!tpu.dma_semaphore, #tpu.memory_space<semaphore_mem>>
      %dma_start3A_618 = tpu.memref_squeeze %dma_start3A_617 : memref<1x!tpu.dma_semaphore, #tpu.memory_space<semaphore_mem>> -> memref<!tpu.dma_semaphore, #tpu.memory_space<semaphore_mem>>
      %dma_start3A_619 = arith.constant 0 : i32
      %dma_start3A_620 = arith.constant 0 : i32
      %dma_start3A_621 = tpu.memref_slice %arg4[%rem3A_499, %dma_start3A_610, %add3A_502, %dma_start3A_619, %dma_start3A_620] : memref<20x8x128x8x128xf32, #tpu.memory_space<hbm>> -> memref<1x1x1x8x128xf32, #tpu.memory_space<hbm>>
      %dma_start3A_622 = tpu.memref_squeeze %dma_start3A_621 : memref<1x1x1x8x128xf32, #tpu.memory_space<hbm>> -> memref<8x128xf32, #tpu.memory_space<hbm>>
      %dma_start3A_623 = arith.constant 0 : i32
      %dma_start3A_624 = tpu.memref_slice %arg8[%add3A_526, %dma_start3A_623] : memref<128x129xf32, #tpu.memory_space<vmem>> -> memref<8x128xf32, #tpu.memory_space<vmem>>
      tpu.enqueue_dma source(%dma_start3A_624 : memref<8x128xf32, #tpu.memory_space<vmem>>) target(%dma_start3A_622 : memref<8x128xf32, #tpu.memory_space<hbm>>) target_semaphore(%dma_start3A_618 : memref<!tpu.dma_semaphore, #tpu.memory_space<semaphore_mem>>)
      %dma_start3A_625 = arith.constant 6 : i32
      %dma_start3A_626 = arith.constant 0 : i32
      %dma_start3A_627 = tpu.memref_slice %arg8[%add3A_530, %dma_start3A_626] : memref<128x129xf32, #tpu.memory_space<vmem>> -> memref<8x128xf32, #tpu.memory_space<vmem>>
      %dma_start3A_628 = arith.constant 0 : i32
      %dma_start3A_629 = arith.constant 0 : i32
      %dma_start3A_630 = tpu.memref_slice %arg4[%rem3A_499, %dma_start3A_625, %add3A_502, %dma_start3A_628, %dma_start3A_629] : memref<20x8x128x8x128xf32, #tpu.memory_space<hbm>> -> memref<1x1x1x8x128xf32, #tpu.memory_space<hbm>>
      %dma_start3A_631 = tpu.memref_squeeze %dma_start3A_630 : memref<1x1x1x8x128xf32, #tpu.memory_space<hbm>> -> memref<8x128xf32, #tpu.memory_space<hbm>>
      %dma_start3A_632 = tpu.memref_slice %arg10[%rem3A_440] : memref<2x!tpu.dma_semaphore, #tpu.memory_space<semaphore_mem>> -> memref<1x!tpu.dma_semaphore, #tpu.memory_space<semaphore_mem>>
      %dma_start3A_633 = tpu.memref_squeeze %dma_start3A_632 : memref<1x!tpu.dma_semaphore, #tpu.memory_space<semaphore_mem>> -> memref<!tpu.dma_semaphore, #tpu.memory_space<semaphore_mem>>
      %dma_start3A_634 = arith.constant 0 : i32
      %dma_start3A_635 = arith.constant 0 : i32
      %dma_start3A_636 = tpu.memref_slice %arg4[%rem3A_499, %dma_start3A_625, %add3A_502, %dma_start3A_634, %dma_start3A_635] : memref<20x8x128x8x128xf32, #tpu.memory_space<hbm>> -> memref<1x1x1x8x128xf32, #tpu.memory_space<hbm>>
      %dma_start3A_637 = tpu.memref_squeeze %dma_start3A_636 : memref<1x1x1x8x128xf32, #tpu.memory_space<hbm>> -> memref<8x128xf32, #tpu.memory_space<hbm>>
      %dma_start3A_638 = arith.constant 0 : i32
      %dma_start3A_639 = tpu.memref_slice %arg8[%add3A_530, %dma_start3A_638] : memref<128x129xf32, #tpu.memory_space<vmem>> -> memref<8x128xf32, #tpu.memory_space<vmem>>
      tpu.enqueue_dma source(%dma_start3A_639 : memref<8x128xf32, #tpu.memory_space<vmem>>) target(%dma_start3A_637 : memref<8x128xf32, #tpu.memory_space<hbm>>) target_semaphore(%dma_start3A_633 : memref<!tpu.dma_semaphore, #tpu.memory_space<semaphore_mem>>)
      %dma_start3A_640 = arith.constant 7 : i32
      %dma_start3A_641 = arith.constant 0 : i32
      %dma_start3A_642 = tpu.memref_slice %arg8[%add3A_534, %dma_start3A_641] : memref<128x129xf32, #tpu.memory_space<vmem>> -> memref<8x128xf32, #tpu.memory_space<vmem>>
      %dma_start3A_643 = arith.constant 0 : i32
      %dma_start3A_644 = arith.constant 0 : i32
      %dma_start3A_645 = tpu.memref_slice %arg4[%rem3A_499, %dma_start3A_640, %add3A_502, %dma_start3A_643, %dma_start3A_644] : memref<20x8x128x8x128xf32, #tpu.memory_space<hbm>> -> memref<1x1x1x8x128xf32, #tpu.memory_space<hbm>>
      %dma_start3A_646 = tpu.memref_squeeze %dma_start3A_645 : memref<1x1x1x8x128xf32, #tpu.memory_space<hbm>> -> memref<8x128xf32, #tpu.memory_space<hbm>>
      %dma_start3A_647 = tpu.memref_slice %arg10[%rem3A_440] : memref<2x!tpu.dma_semaphore, #tpu.memory_space<semaphore_mem>> -> memref<1x!tpu.dma_semaphore, #tpu.memory_space<semaphore_mem>>
      %dma_start3A_648 = tpu.memref_squeeze %dma_start3A_647 : memref<1x!tpu.dma_semaphore, #tpu.memory_space<semaphore_mem>> -> memref<!tpu.dma_semaphore, #tpu.memory_space<semaphore_mem>>
      %dma_start3A_649 = arith.constant 0 : i32
      %dma_start3A_650 = arith.constant 0 : i32
      %dma_start3A_651 = tpu.memref_slice %arg4[%rem3A_499, %dma_start3A_640, %add3A_502, %dma_start3A_649, %dma_start3A_650] : memref<20x8x128x8x128xf32, #tpu.memory_space<hbm>> -> memref<1x1x1x8x128xf32, #tpu.memory_space<hbm>>
      %dma_start3A_652 = tpu.memref_squeeze %dma_start3A_651 : memref<1x1x1x8x128xf32, #tpu.memory_space<hbm>> -> memref<8x128xf32, #tpu.memory_space<hbm>>
      %dma_start3A_653 = arith.constant 0 : i32
      %dma_start3A_654 = tpu.memref_slice %arg8[%add3A_534, %dma_start3A_653] : memref<128x129xf32, #tpu.memory_space<vmem>> -> memref<8x128xf32, #tpu.memory_space<vmem>>
      tpu.enqueue_dma source(%dma_start3A_654 : memref<8x128xf32, #tpu.memory_space<vmem>>) target(%dma_start3A_652 : memref<8x128xf32, #tpu.memory_space<hbm>>) target_semaphore(%dma_start3A_648 : memref<!tpu.dma_semaphore, #tpu.memory_space<semaphore_mem>>)
    }
    %scan3A_114 = arith.constant 80 : i32
    %rem3A_115 = arith.constant 78 : i32
    %rem3A_116 = arith.constant 2 : i32
    %rem3A_117 = arith.remsi %rem3A_115, %rem3A_116 : i32
    %rem3A_118 = arith.constant 78 : i32
    %rem3A_119 = arith.constant 20 : i32
    %rem3A_120 = arith.remsi %rem3A_118, %rem3A_119 : i32
    %mul3A_121 = arith.constant 4 : i32
    %mul3A_122 = arith.muli %add3A, %mul3A_121 : i32
    %add3A_123 = arith.constant 3 : i32
    %add3A_124 = arith.addi %mul3A_122, %add3A_123 : i32
    %mul3A_125 = arith.constant 64 : i32
    %mul3A_126 = arith.muli %rem3A_117, %mul3A_125 : i32
    %add3A_127 = arith.constant 0 : i32
    %add3A_128 = arith.addi %mul3A_126, %add3A_127 : i32
    %mul3A_129 = arith.constant 64 : i32
    %mul3A_130 = arith.muli %rem3A_117, %mul3A_129 : i32
    %add3A_131 = arith.constant 8 : i32
    %add3A_132 = arith.addi %mul3A_130, %add3A_131 : i32
    %mul3A_133 = arith.constant 64 : i32
    %mul3A_134 = arith.muli %rem3A_117, %mul3A_133 : i32
    %add3A_135 = arith.constant 16 : i32
    %add3A_136 = arith.addi %mul3A_134, %add3A_135 : i32
    %mul3A_137 = arith.constant 64 : i32
    %mul3A_138 = arith.muli %rem3A_117, %mul3A_137 : i32
    %add3A_139 = arith.constant 24 : i32
    %add3A_140 = arith.addi %mul3A_138, %add3A_139 : i32
    %mul3A_141 = arith.constant 64 : i32
    %mul3A_142 = arith.muli %rem3A_117, %mul3A_141 : i32
    %add3A_143 = arith.constant 32 : i32
    %add3A_144 = arith.addi %mul3A_142, %add3A_143 : i32
    %mul3A_145 = arith.constant 64 : i32
    %mul3A_146 = arith.muli %rem3A_117, %mul3A_145 : i32
    %add3A_147 = arith.constant 40 : i32
    %add3A_148 = arith.addi %mul3A_146, %add3A_147 : i32
    %mul3A_149 = arith.constant 64 : i32
    %mul3A_150 = arith.muli %rem3A_117, %mul3A_149 : i32
    %add3A_151 = arith.constant 48 : i32
    %add3A_152 = arith.addi %mul3A_150, %add3A_151 : i32
    %mul3A_153 = arith.constant 64 : i32
    %mul3A_154 = arith.muli %rem3A_117, %mul3A_153 : i32
    %add3A_155 = arith.constant 56 : i32
    %add3A_156 = arith.addi %mul3A_154, %add3A_155 : i32
    %dma_wait3A = arith.constant 0 : i32
    %dma_wait3A_157 = arith.constant 0 : i32
    %dma_wait3A_158 = tpu.memref_slice %arg8[%add3A_128, %dma_wait3A_157] : memref<128x129xf32, #tpu.memory_space<vmem>> -> memref<8x128xf32, #tpu.memory_space<vmem>>
    %dma_wait3A_159 = arith.constant 0 : i32
    %dma_wait3A_160 = arith.constant 0 : i32
    %dma_wait3A_161 = tpu.memref_slice %arg4[%rem3A_120, %dma_wait3A, %add3A_124, %dma_wait3A_159, %dma_wait3A_160] : memref<20x8x128x8x128xf32, #tpu.memory_space<hbm>> -> memref<1x1x1x8x128xf32, #tpu.memory_space<hbm>>
    %dma_wait3A_162 = tpu.memref_squeeze %dma_wait3A_161 : memref<1x1x1x8x128xf32, #tpu.memory_space<hbm>> -> memref<8x128xf32, #tpu.memory_space<hbm>>
    %dma_wait3A_163 = tpu.memref_slice %arg10[%rem3A_117] : memref<2x!tpu.dma_semaphore, #tpu.memory_space<semaphore_mem>> -> memref<1x!tpu.dma_semaphore, #tpu.memory_space<semaphore_mem>>
    %dma_wait3A_164 = tpu.memref_squeeze %dma_wait3A_163 : memref<1x!tpu.dma_semaphore, #tpu.memory_space<semaphore_mem>> -> memref<!tpu.dma_semaphore, #tpu.memory_space<semaphore_mem>>
    %dma_wait3A_165 = arith.constant 0 : i32
    %dma_wait3A_166 = arith.constant 0 : i32
    %dma_wait3A_167 = tpu.memref_slice %arg4[%rem3A_120, %dma_wait3A, %add3A_124, %dma_wait3A_165, %dma_wait3A_166] : memref<20x8x128x8x128xf32, #tpu.memory_space<hbm>> -> memref<1x1x1x8x128xf32, #tpu.memory_space<hbm>>
    %dma_wait3A_168 = tpu.memref_squeeze %dma_wait3A_167 : memref<1x1x1x8x128xf32, #tpu.memory_space<hbm>> -> memref<8x128xf32, #tpu.memory_space<hbm>>
    %dma_wait3A_169 = arith.constant 0 : i32
    %dma_wait3A_170 = tpu.memref_slice %arg8[%add3A_128, %dma_wait3A_169] : memref<128x129xf32, #tpu.memory_space<vmem>> -> memref<8x128xf32, #tpu.memory_space<vmem>>
    tpu.wait_dma2 semaphore(%dma_wait3A_164 : memref<!tpu.dma_semaphore, #tpu.memory_space<semaphore_mem>>) src(%dma_wait3A_170 : memref<8x128xf32, #tpu.memory_space<vmem>>) dst(%dma_wait3A_168 : memref<8x128xf32, #tpu.memory_space<hbm>>)
    %dma_wait3A_171 = arith.constant 1 : i32
    %dma_wait3A_172 = arith.constant 0 : i32
    %dma_wait3A_173 = tpu.memref_slice %arg8[%add3A_132, %dma_wait3A_172] : memref<128x129xf32, #tpu.memory_space<vmem>> -> memref<8x128xf32, #tpu.memory_space<vmem>>
    %dma_wait3A_174 = arith.constant 0 : i32
    %dma_wait3A_175 = arith.constant 0 : i32
    %dma_wait3A_176 = tpu.memref_slice %arg4[%rem3A_120, %dma_wait3A_171, %add3A_124, %dma_wait3A_174, %dma_wait3A_175] : memref<20x8x128x8x128xf32, #tpu.memory_space<hbm>> -> memref<1x1x1x8x128xf32, #tpu.memory_space<hbm>>
    %dma_wait3A_177 = tpu.memref_squeeze %dma_wait3A_176 : memref<1x1x1x8x128xf32, #tpu.memory_space<hbm>> -> memref<8x128xf32, #tpu.memory_space<hbm>>
    %dma_wait3A_178 = tpu.memref_slice %arg10[%rem3A_117] : memref<2x!tpu.dma_semaphore, #tpu.memory_space<semaphore_mem>> -> memref<1x!tpu.dma_semaphore, #tpu.memory_space<semaphore_mem>>
    %dma_wait3A_179 = tpu.memref_squeeze %dma_wait3A_178 : memref<1x!tpu.dma_semaphore, #tpu.memory_space<semaphore_mem>> -> memref<!tpu.dma_semaphore, #tpu.memory_space<semaphore_mem>>
    %dma_wait3A_180 = arith.constant 0 : i32
    %dma_wait3A_181 = arith.constant 0 : i32
    %dma_wait3A_182 = tpu.memref_slice %arg4[%rem3A_120, %dma_wait3A_171, %add3A_124, %dma_wait3A_180, %dma_wait3A_181] : memref<20x8x128x8x128xf32, #tpu.memory_space<hbm>> -> memref<1x1x1x8x128xf32, #tpu.memory_space<hbm>>
    %dma_wait3A_183 = tpu.memref_squeeze %dma_wait3A_182 : memref<1x1x1x8x128xf32, #tpu.memory_space<hbm>> -> memref<8x128xf32, #tpu.memory_space<hbm>>
    %dma_wait3A_184 = arith.constant 0 : i32
    %dma_wait3A_185 = tpu.memref_slice %arg8[%add3A_132, %dma_wait3A_184] : memref<128x129xf32, #tpu.memory_space<vmem>> -> memref<8x128xf32, #tpu.memory_space<vmem>>
    tpu.wait_dma2 semaphore(%dma_wait3A_179 : memref<!tpu.dma_semaphore, #tpu.memory_space<semaphore_mem>>) src(%dma_wait3A_185 : memref<8x128xf32, #tpu.memory_space<vmem>>) dst(%dma_wait3A_183 : memref<8x128xf32, #tpu.memory_space<hbm>>)
    %dma_wait3A_186 = arith.constant 2 : i32
    %dma_wait3A_187 = arith.constant 0 : i32
    %dma_wait3A_188 = tpu.memref_slice %arg8[%add3A_136, %dma_wait3A_187] : memref<128x129xf32, #tpu.memory_space<vmem>> -> memref<8x128xf32, #tpu.memory_space<vmem>>
    %dma_wait3A_189 = arith.constant 0 : i32
    %dma_wait3A_190 = arith.constant 0 : i32
    %dma_wait3A_191 = tpu.memref_slice %arg4[%rem3A_120, %dma_wait3A_186, %add3A_124, %dma_wait3A_189, %dma_wait3A_190] : memref<20x8x128x8x128xf32, #tpu.memory_space<hbm>> -> memref<1x1x1x8x128xf32, #tpu.memory_space<hbm>>
    %dma_wait3A_192 = tpu.memref_squeeze %dma_wait3A_191 : memref<1x1x1x8x128xf32, #tpu.memory_space<hbm>> -> memref<8x128xf32, #tpu.memory_space<hbm>>
    %dma_wait3A_193 = tpu.memref_slice %arg10[%rem3A_117] : memref<2x!tpu.dma_semaphore, #tpu.memory_space<semaphore_mem>> -> memref<1x!tpu.dma_semaphore, #tpu.memory_space<semaphore_mem>>
    %dma_wait3A_194 = tpu.memref_squeeze %dma_wait3A_193 : memref<1x!tpu.dma_semaphore, #tpu.memory_space<semaphore_mem>> -> memref<!tpu.dma_semaphore, #tpu.memory_space<semaphore_mem>>
    %dma_wait3A_195 = arith.constant 0 : i32
    %dma_wait3A_196 = arith.constant 0 : i32
    %dma_wait3A_197 = tpu.memref_slice %arg4[%rem3A_120, %dma_wait3A_186, %add3A_124, %dma_wait3A_195, %dma_wait3A_196] : memref<20x8x128x8x128xf32, #tpu.memory_space<hbm>> -> memref<1x1x1x8x128xf32, #tpu.memory_space<hbm>>
    %dma_wait3A_198 = tpu.memref_squeeze %dma_wait3A_197 : memref<1x1x1x8x128xf32, #tpu.memory_space<hbm>> -> memref<8x128xf32, #tpu.memory_space<hbm>>
    %dma_wait3A_199 = arith.constant 0 : i32
    %dma_wait3A_200 = tpu.memref_slice %arg8[%add3A_136, %dma_wait3A_199] : memref<128x129xf32, #tpu.memory_space<vmem>> -> memref<8x128xf32, #tpu.memory_space<vmem>>
    tpu.wait_dma2 semaphore(%dma_wait3A_194 : memref<!tpu.dma_semaphore, #tpu.memory_space<semaphore_mem>>) src(%dma_wait3A_200 : memref<8x128xf32, #tpu.memory_space<vmem>>) dst(%dma_wait3A_198 : memref<8x128xf32, #tpu.memory_space<hbm>>)
    %dma_wait3A_201 = arith.constant 3 : i32
    %dma_wait3A_202 = arith.constant 0 : i32
    %dma_wait3A_203 = tpu.memref_slice %arg8[%add3A_140, %dma_wait3A_202] : memref<128x129xf32, #tpu.memory_space<vmem>> -> memref<8x128xf32, #tpu.memory_space<vmem>>
    %dma_wait3A_204 = arith.constant 0 : i32
    %dma_wait3A_205 = arith.constant 0 : i32
    %dma_wait3A_206 = tpu.memref_slice %arg4[%rem3A_120, %dma_wait3A_201, %add3A_124, %dma_wait3A_204, %dma_wait3A_205] : memref<20x8x128x8x128xf32, #tpu.memory_space<hbm>> -> memref<1x1x1x8x128xf32, #tpu.memory_space<hbm>>
    %dma_wait3A_207 = tpu.memref_squeeze %dma_wait3A_206 : memref<1x1x1x8x128xf32, #tpu.memory_space<hbm>> -> memref<8x128xf32, #tpu.memory_space<hbm>>
    %dma_wait3A_208 = tpu.memref_slice %arg10[%rem3A_117] : memref<2x!tpu.dma_semaphore, #tpu.memory_space<semaphore_mem>> -> memref<1x!tpu.dma_semaphore, #tpu.memory_space<semaphore_mem>>
    %dma_wait3A_209 = tpu.memref_squeeze %dma_wait3A_208 : memref<1x!tpu.dma_semaphore, #tpu.memory_space<semaphore_mem>> -> memref<!tpu.dma_semaphore, #tpu.memory_space<semaphore_mem>>
    %dma_wait3A_210 = arith.constant 0 : i32
    %dma_wait3A_211 = arith.constant 0 : i32
    %dma_wait3A_212 = tpu.memref_slice %arg4[%rem3A_120, %dma_wait3A_201, %add3A_124, %dma_wait3A_210, %dma_wait3A_211] : memref<20x8x128x8x128xf32, #tpu.memory_space<hbm>> -> memref<1x1x1x8x128xf32, #tpu.memory_space<hbm>>
    %dma_wait3A_213 = tpu.memref_squeeze %dma_wait3A_212 : memref<1x1x1x8x128xf32, #tpu.memory_space<hbm>> -> memref<8x128xf32, #tpu.memory_space<hbm>>
    %dma_wait3A_214 = arith.constant 0 : i32
    %dma_wait3A_215 = tpu.memref_slice %arg8[%add3A_140, %dma_wait3A_214] : memref<128x129xf32, #tpu.memory_space<vmem>> -> memref<8x128xf32, #tpu.memory_space<vmem>>
    tpu.wait_dma2 semaphore(%dma_wait3A_209 : memref<!tpu.dma_semaphore, #tpu.memory_space<semaphore_mem>>) src(%dma_wait3A_215 : memref<8x128xf32, #tpu.memory_space<vmem>>) dst(%dma_wait3A_213 : memref<8x128xf32, #tpu.memory_space<hbm>>)
    %dma_wait3A_216 = arith.constant 4 : i32
    %dma_wait3A_217 = arith.constant 0 : i32
    %dma_wait3A_218 = tpu.memref_slice %arg8[%add3A_144, %dma_wait3A_217] : memref<128x129xf32, #tpu.memory_space<vmem>> -> memref<8x128xf32, #tpu.memory_space<vmem>>
    %dma_wait3A_219 = arith.constant 0 : i32
    %dma_wait3A_220 = arith.constant 0 : i32
    %dma_wait3A_221 = tpu.memref_slice %arg4[%rem3A_120, %dma_wait3A_216, %add3A_124, %dma_wait3A_219, %dma_wait3A_220] : memref<20x8x128x8x128xf32, #tpu.memory_space<hbm>> -> memref<1x1x1x8x128xf32, #tpu.memory_space<hbm>>
    %dma_wait3A_222 = tpu.memref_squeeze %dma_wait3A_221 : memref<1x1x1x8x128xf32, #tpu.memory_space<hbm>> -> memref<8x128xf32, #tpu.memory_space<hbm>>
    %dma_wait3A_223 = tpu.memref_slice %arg10[%rem3A_117] : memref<2x!tpu.dma_semaphore, #tpu.memory_space<semaphore_mem>> -> memref<1x!tpu.dma_semaphore, #tpu.memory_space<semaphore_mem>>
    %dma_wait3A_224 = tpu.memref_squeeze %dma_wait3A_223 : memref<1x!tpu.dma_semaphore, #tpu.memory_space<semaphore_mem>> -> memref<!tpu.dma_semaphore, #tpu.memory_space<semaphore_mem>>
    %dma_wait3A_225 = arith.constant 0 : i32
    %dma_wait3A_226 = arith.constant 0 : i32
    %dma_wait3A_227 = tpu.memref_slice %arg4[%rem3A_120, %dma_wait3A_216, %add3A_124, %dma_wait3A_225, %dma_wait3A_226] : memref<20x8x128x8x128xf32, #tpu.memory_space<hbm>> -> memref<1x1x1x8x128xf32, #tpu.memory_space<hbm>>
    %dma_wait3A_228 = tpu.memref_squeeze %dma_wait3A_227 : memref<1x1x1x8x128xf32, #tpu.memory_space<hbm>> -> memref<8x128xf32, #tpu.memory_space<hbm>>
    %dma_wait3A_229 = arith.constant 0 : i32
    %dma_wait3A_230 = tpu.memref_slice %arg8[%add3A_144, %dma_wait3A_229] : memref<128x129xf32, #tpu.memory_space<vmem>> -> memref<8x128xf32, #tpu.memory_space<vmem>>
    tpu.wait_dma2 semaphore(%dma_wait3A_224 : memref<!tpu.dma_semaphore, #tpu.memory_space<semaphore_mem>>) src(%dma_wait3A_230 : memref<8x128xf32, #tpu.memory_space<vmem>>) dst(%dma_wait3A_228 : memref<8x128xf32, #tpu.memory_space<hbm>>)
    %dma_wait3A_231 = arith.constant 5 : i32
    %dma_wait3A_232 = arith.constant 0 : i32
    %dma_wait3A_233 = tpu.memref_slice %arg8[%add3A_148, %dma_wait3A_232] : memref<128x129xf32, #tpu.memory_space<vmem>> -> memref<8x128xf32, #tpu.memory_space<vmem>>
    %dma_wait3A_234 = arith.constant 0 : i32
    %dma_wait3A_235 = arith.constant 0 : i32
    %dma_wait3A_236 = tpu.memref_slice %arg4[%rem3A_120, %dma_wait3A_231, %add3A_124, %dma_wait3A_234, %dma_wait3A_235] : memref<20x8x128x8x128xf32, #tpu.memory_space<hbm>> -> memref<1x1x1x8x128xf32, #tpu.memory_space<hbm>>
    %dma_wait3A_237 = tpu.memref_squeeze %dma_wait3A_236 : memref<1x1x1x8x128xf32, #tpu.memory_space<hbm>> -> memref<8x128xf32, #tpu.memory_space<hbm>>
    %dma_wait3A_238 = tpu.memref_slice %arg10[%rem3A_117] : memref<2x!tpu.dma_semaphore, #tpu.memory_space<semaphore_mem>> -> memref<1x!tpu.dma_semaphore, #tpu.memory_space<semaphore_mem>>
    %dma_wait3A_239 = tpu.memref_squeeze %dma_wait3A_238 : memref<1x!tpu.dma_semaphore, #tpu.memory_space<semaphore_mem>> -> memref<!tpu.dma_semaphore, #tpu.memory_space<semaphore_mem>>
    %dma_wait3A_240 = arith.constant 0 : i32
    %dma_wait3A_241 = arith.constant 0 : i32
    %dma_wait3A_242 = tpu.memref_slice %arg4[%rem3A_120, %dma_wait3A_231, %add3A_124, %dma_wait3A_240, %dma_wait3A_241] : memref<20x8x128x8x128xf32, #tpu.memory_space<hbm>> -> memref<1x1x1x8x128xf32, #tpu.memory_space<hbm>>
    %dma_wait3A_243 = tpu.memref_squeeze %dma_wait3A_242 : memref<1x1x1x8x128xf32, #tpu.memory_space<hbm>> -> memref<8x128xf32, #tpu.memory_space<hbm>>
    %dma_wait3A_244 = arith.constant 0 : i32
    %dma_wait3A_245 = tpu.memref_slice %arg8[%add3A_148, %dma_wait3A_244] : memref<128x129xf32, #tpu.memory_space<vmem>> -> memref<8x128xf32, #tpu.memory_space<vmem>>
    tpu.wait_dma2 semaphore(%dma_wait3A_239 : memref<!tpu.dma_semaphore, #tpu.memory_space<semaphore_mem>>) src(%dma_wait3A_245 : memref<8x128xf32, #tpu.memory_space<vmem>>) dst(%dma_wait3A_243 : memref<8x128xf32, #tpu.memory_space<hbm>>)
    %dma_wait3A_246 = arith.constant 6 : i32
    %dma_wait3A_247 = arith.constant 0 : i32
    %dma_wait3A_248 = tpu.memref_slice %arg8[%add3A_152, %dma_wait3A_247] : memref<128x129xf32, #tpu.memory_space<vmem>> -> memref<8x128xf32, #tpu.memory_space<vmem>>
    %dma_wait3A_249 = arith.constant 0 : i32
    %dma_wait3A_250 = arith.constant 0 : i32
    %dma_wait3A_251 = tpu.memref_slice %arg4[%rem3A_120, %dma_wait3A_246, %add3A_124, %dma_wait3A_249, %dma_wait3A_250] : memref<20x8x128x8x128xf32, #tpu.memory_space<hbm>> -> memref<1x1x1x8x128xf32, #tpu.memory_space<hbm>>
    %dma_wait3A_252 = tpu.memref_squeeze %dma_wait3A_251 : memref<1x1x1x8x128xf32, #tpu.memory_space<hbm>> -> memref<8x128xf32, #tpu.memory_space<hbm>>
    %dma_wait3A_253 = tpu.memref_slice %arg10[%rem3A_117] : memref<2x!tpu.dma_semaphore, #tpu.memory_space<semaphore_mem>> -> memref<1x!tpu.dma_semaphore, #tpu.memory_space<semaphore_mem>>
    %dma_wait3A_254 = tpu.memref_squeeze %dma_wait3A_253 : memref<1x!tpu.dma_semaphore, #tpu.memory_space<semaphore_mem>> -> memref<!tpu.dma_semaphore, #tpu.memory_space<semaphore_mem>>
    %dma_wait3A_255 = arith.constant 0 : i32
    %dma_wait3A_256 = arith.constant 0 : i32
    %dma_wait3A_257 = tpu.memref_slice %arg4[%rem3A_120, %dma_wait3A_246, %add3A_124, %dma_wait3A_255, %dma_wait3A_256] : memref<20x8x128x8x128xf32, #tpu.memory_space<hbm>> -> memref<1x1x1x8x128xf32, #tpu.memory_space<hbm>>
    %dma_wait3A_258 = tpu.memref_squeeze %dma_wait3A_257 : memref<1x1x1x8x128xf32, #tpu.memory_space<hbm>> -> memref<8x128xf32, #tpu.memory_space<hbm>>
    %dma_wait3A_259 = arith.constant 0 : i32
    %dma_wait3A_260 = tpu.memref_slice %arg8[%add3A_152, %dma_wait3A_259] : memref<128x129xf32, #tpu.memory_space<vmem>> -> memref<8x128xf32, #tpu.memory_space<vmem>>
    tpu.wait_dma2 semaphore(%dma_wait3A_254 : memref<!tpu.dma_semaphore, #tpu.memory_space<semaphore_mem>>) src(%dma_wait3A_260 : memref<8x128xf32, #tpu.memory_space<vmem>>) dst(%dma_wait3A_258 : memref<8x128xf32, #tpu.memory_space<hbm>>)
    %dma_wait3A_261 = arith.constant 7 : i32
    %dma_wait3A_262 = arith.constant 0 : i32
    %dma_wait3A_263 = tpu.memref_slice %arg8[%add3A_156, %dma_wait3A_262] : memref<128x129xf32, #tpu.memory_space<vmem>> -> memref<8x128xf32, #tpu.memory_space<vmem>>
    %dma_wait3A_264 = arith.constant 0 : i32
    %dma_wait3A_265 = arith.constant 0 : i32
    %dma_wait3A_266 = tpu.memref_slice %arg4[%rem3A_120, %dma_wait3A_261, %add3A_124, %dma_wait3A_264, %dma_wait3A_265] : memref<20x8x128x8x128xf32, #tpu.memory_space<hbm>> -> memref<1x1x1x8x128xf32, #tpu.memory_space<hbm>>
    %dma_wait3A_267 = tpu.memref_squeeze %dma_wait3A_266 : memref<1x1x1x8x128xf32, #tpu.memory_space<hbm>> -> memref<8x128xf32, #tpu.memory_space<hbm>>
    %dma_wait3A_268 = tpu.memref_slice %arg10[%rem3A_117] : memref<2x!tpu.dma_semaphore, #tpu.memory_space<semaphore_mem>> -> memref<1x!tpu.dma_semaphore, #tpu.memory_space<semaphore_mem>>
    %dma_wait3A_269 = tpu.memref_squeeze %dma_wait3A_268 : memref<1x!tpu.dma_semaphore, #tpu.memory_space<semaphore_mem>> -> memref<!tpu.dma_semaphore, #tpu.memory_space<semaphore_mem>>
    %dma_wait3A_270 = arith.constant 0 : i32
    %dma_wait3A_271 = arith.constant 0 : i32
    %dma_wait3A_272 = tpu.memref_slice %arg4[%rem3A_120, %dma_wait3A_261, %add3A_124, %dma_wait3A_270, %dma_wait3A_271] : memref<20x8x128x8x128xf32, #tpu.memory_space<hbm>> -> memref<1x1x1x8x128xf32, #tpu.memory_space<hbm>>
    %dma_wait3A_273 = tpu.memref_squeeze %dma_wait3A_272 : memref<1x1x1x8x128xf32, #tpu.memory_space<hbm>> -> memref<8x128xf32, #tpu.memory_space<hbm>>
    %dma_wait3A_274 = arith.constant 0 : i32
    %dma_wait3A_275 = tpu.memref_slice %arg8[%add3A_156, %dma_wait3A_274] : memref<128x129xf32, #tpu.memory_space<vmem>> -> memref<8x128xf32, #tpu.memory_space<vmem>>
    tpu.wait_dma2 semaphore(%dma_wait3A_269 : memref<!tpu.dma_semaphore, #tpu.memory_space<semaphore_mem>>) src(%dma_wait3A_275 : memref<8x128xf32, #tpu.memory_space<vmem>>) dst(%dma_wait3A_273 : memref<8x128xf32, #tpu.memory_space<hbm>>)
    %rem3A_276 = arith.constant 79 : i32
    %rem3A_277 = arith.constant 2 : i32
    %rem3A_278 = arith.remsi %rem3A_276, %rem3A_277 : i32
    %rem3A_279 = arith.constant 79 : i32
    %rem3A_280 = arith.constant 20 : i32
    %rem3A_281 = arith.remsi %rem3A_279, %rem3A_280 : i32
    %mul3A_282 = arith.constant 4 : i32
    %mul3A_283 = arith.muli %add3A, %mul3A_282 : i32
    %add3A_284 = arith.constant 3 : i32
    %add3A_285 = arith.addi %mul3A_283, %add3A_284 : i32
    %mul3A_286 = arith.constant 64 : i32
    %mul3A_287 = arith.muli %rem3A_278, %mul3A_286 : i32
    %add3A_288 = arith.constant 0 : i32
    %add3A_289 = arith.addi %mul3A_287, %add3A_288 : i32
    %mul3A_290 = arith.constant 64 : i32
    %mul3A_291 = arith.muli %rem3A_278, %mul3A_290 : i32
    %add3A_292 = arith.constant 8 : i32
    %add3A_293 = arith.addi %mul3A_291, %add3A_292 : i32
    %mul3A_294 = arith.constant 64 : i32
    %mul3A_295 = arith.muli %rem3A_278, %mul3A_294 : i32
    %add3A_296 = arith.constant 16 : i32
    %add3A_297 = arith.addi %mul3A_295, %add3A_296 : i32
    %mul3A_298 = arith.constant 64 : i32
    %mul3A_299 = arith.muli %rem3A_278, %mul3A_298 : i32
    %add3A_300 = arith.constant 24 : i32
    %add3A_301 = arith.addi %mul3A_299, %add3A_300 : i32
    %mul3A_302 = arith.constant 64 : i32
    %mul3A_303 = arith.muli %rem3A_278, %mul3A_302 : i32
    %add3A_304 = arith.constant 32 : i32
    %add3A_305 = arith.addi %mul3A_303, %add3A_304 : i32
    %mul3A_306 = arith.constant 64 : i32
    %mul3A_307 = arith.muli %rem3A_278, %mul3A_306 : i32
    %add3A_308 = arith.constant 40 : i32
    %add3A_309 = arith.addi %mul3A_307, %add3A_308 : i32
    %mul3A_310 = arith.constant 64 : i32
    %mul3A_311 = arith.muli %rem3A_278, %mul3A_310 : i32
    %add3A_312 = arith.constant 48 : i32
    %add3A_313 = arith.addi %mul3A_311, %add3A_312 : i32
    %mul3A_314 = arith.constant 64 : i32
    %mul3A_315 = arith.muli %rem3A_278, %mul3A_314 : i32
    %add3A_316 = arith.constant 56 : i32
    %add3A_317 = arith.addi %mul3A_315, %add3A_316 : i32
    %dma_wait3A_318 = arith.constant 0 : i32
    %dma_wait3A_319 = arith.constant 0 : i32
    %dma_wait3A_320 = tpu.memref_slice %arg8[%add3A_289, %dma_wait3A_319] : memref<128x129xf32, #tpu.memory_space<vmem>> -> memref<8x128xf32, #tpu.memory_space<vmem>>
    %dma_wait3A_321 = arith.constant 0 : i32
    %dma_wait3A_322 = arith.constant 0 : i32
    %dma_wait3A_323 = tpu.memref_slice %arg4[%rem3A_281, %dma_wait3A_318, %add3A_285, %dma_wait3A_321, %dma_wait3A_322] : memref<20x8x128x8x128xf32, #tpu.memory_space<hbm>> -> memref<1x1x1x8x128xf32, #tpu.memory_space<hbm>>
    %dma_wait3A_324 = tpu.memref_squeeze %dma_wait3A_323 : memref<1x1x1x8x128xf32, #tpu.memory_space<hbm>> -> memref<8x128xf32, #tpu.memory_space<hbm>>
    %dma_wait3A_325 = tpu.memref_slice %arg10[%rem3A_278] : memref<2x!tpu.dma_semaphore, #tpu.memory_space<semaphore_mem>> -> memref<1x!tpu.dma_semaphore, #tpu.memory_space<semaphore_mem>>
    %dma_wait3A_326 = tpu.memref_squeeze %dma_wait3A_325 : memref<1x!tpu.dma_semaphore, #tpu.memory_space<semaphore_mem>> -> memref<!tpu.dma_semaphore, #tpu.memory_space<semaphore_mem>>
    %dma_wait3A_327 = arith.constant 0 : i32
    %dma_wait3A_328 = arith.constant 0 : i32
    %dma_wait3A_329 = tpu.memref_slice %arg4[%rem3A_281, %dma_wait3A_318, %add3A_285, %dma_wait3A_327, %dma_wait3A_328] : memref<20x8x128x8x128xf32, #tpu.memory_space<hbm>> -> memref<1x1x1x8x128xf32, #tpu.memory_space<hbm>>
    %dma_wait3A_330 = tpu.memref_squeeze %dma_wait3A_329 : memref<1x1x1x8x128xf32, #tpu.memory_space<hbm>> -> memref<8x128xf32, #tpu.memory_space<hbm>>
    %dma_wait3A_331 = arith.constant 0 : i32
    %dma_wait3A_332 = tpu.memref_slice %arg8[%add3A_289, %dma_wait3A_331] : memref<128x129xf32, #tpu.memory_space<vmem>> -> memref<8x128xf32, #tpu.memory_space<vmem>>
    tpu.wait_dma2 semaphore(%dma_wait3A_326 : memref<!tpu.dma_semaphore, #tpu.memory_space<semaphore_mem>>) src(%dma_wait3A_332 : memref<8x128xf32, #tpu.memory_space<vmem>>) dst(%dma_wait3A_330 : memref<8x128xf32, #tpu.memory_space<hbm>>)
    %dma_wait3A_333 = arith.constant 1 : i32
    %dma_wait3A_334 = arith.constant 0 : i32
    %dma_wait3A_335 = tpu.memref_slice %arg8[%add3A_293, %dma_wait3A_334] : memref<128x129xf32, #tpu.memory_space<vmem>> -> memref<8x128xf32, #tpu.memory_space<vmem>>
    %dma_wait3A_336 = arith.constant 0 : i32
    %dma_wait3A_337 = arith.constant 0 : i32
    %dma_wait3A_338 = tpu.memref_slice %arg4[%rem3A_281, %dma_wait3A_333, %add3A_285, %dma_wait3A_336, %dma_wait3A_337] : memref<20x8x128x8x128xf32, #tpu.memory_space<hbm>> -> memref<1x1x1x8x128xf32, #tpu.memory_space<hbm>>
    %dma_wait3A_339 = tpu.memref_squeeze %dma_wait3A_338 : memref<1x1x1x8x128xf32, #tpu.memory_space<hbm>> -> memref<8x128xf32, #tpu.memory_space<hbm>>
    %dma_wait3A_340 = tpu.memref_slice %arg10[%rem3A_278] : memref<2x!tpu.dma_semaphore, #tpu.memory_space<semaphore_mem>> -> memref<1x!tpu.dma_semaphore, #tpu.memory_space<semaphore_mem>>
    %dma_wait3A_341 = tpu.memref_squeeze %dma_wait3A_340 : memref<1x!tpu.dma_semaphore, #tpu.memory_space<semaphore_mem>> -> memref<!tpu.dma_semaphore, #tpu.memory_space<semaphore_mem>>
    %dma_wait3A_342 = arith.constant 0 : i32
    %dma_wait3A_343 = arith.constant 0 : i32
    %dma_wait3A_344 = tpu.memref_slice %arg4[%rem3A_281, %dma_wait3A_333, %add3A_285, %dma_wait3A_342, %dma_wait3A_343] : memref<20x8x128x8x128xf32, #tpu.memory_space<hbm>> -> memref<1x1x1x8x128xf32, #tpu.memory_space<hbm>>
    %dma_wait3A_345 = tpu.memref_squeeze %dma_wait3A_344 : memref<1x1x1x8x128xf32, #tpu.memory_space<hbm>> -> memref<8x128xf32, #tpu.memory_space<hbm>>
    %dma_wait3A_346 = arith.constant 0 : i32
    %dma_wait3A_347 = tpu.memref_slice %arg8[%add3A_293, %dma_wait3A_346] : memref<128x129xf32, #tpu.memory_space<vmem>> -> memref<8x128xf32, #tpu.memory_space<vmem>>
    tpu.wait_dma2 semaphore(%dma_wait3A_341 : memref<!tpu.dma_semaphore, #tpu.memory_space<semaphore_mem>>) src(%dma_wait3A_347 : memref<8x128xf32, #tpu.memory_space<vmem>>) dst(%dma_wait3A_345 : memref<8x128xf32, #tpu.memory_space<hbm>>)
    %dma_wait3A_348 = arith.constant 2 : i32
    %dma_wait3A_349 = arith.constant 0 : i32
    %dma_wait3A_350 = tpu.memref_slice %arg8[%add3A_297, %dma_wait3A_349] : memref<128x129xf32, #tpu.memory_space<vmem>> -> memref<8x128xf32, #tpu.memory_space<vmem>>
    %dma_wait3A_351 = arith.constant 0 : i32
    %dma_wait3A_352 = arith.constant 0 : i32
    %dma_wait3A_353 = tpu.memref_slice %arg4[%rem3A_281, %dma_wait3A_348, %add3A_285, %dma_wait3A_351, %dma_wait3A_352] : memref<20x8x128x8x128xf32, #tpu.memory_space<hbm>> -> memref<1x1x1x8x128xf32, #tpu.memory_space<hbm>>
    %dma_wait3A_354 = tpu.memref_squeeze %dma_wait3A_353 : memref<1x1x1x8x128xf32, #tpu.memory_space<hbm>> -> memref<8x128xf32, #tpu.memory_space<hbm>>
    %dma_wait3A_355 = tpu.memref_slice %arg10[%rem3A_278] : memref<2x!tpu.dma_semaphore, #tpu.memory_space<semaphore_mem>> -> memref<1x!tpu.dma_semaphore, #tpu.memory_space<semaphore_mem>>
    %dma_wait3A_356 = tpu.memref_squeeze %dma_wait3A_355 : memref<1x!tpu.dma_semaphore, #tpu.memory_space<semaphore_mem>> -> memref<!tpu.dma_semaphore, #tpu.memory_space<semaphore_mem>>
    %dma_wait3A_357 = arith.constant 0 : i32
    %dma_wait3A_358 = arith.constant 0 : i32
    %dma_wait3A_359 = tpu.memref_slice %arg4[%rem3A_281, %dma_wait3A_348, %add3A_285, %dma_wait3A_357, %dma_wait3A_358] : memref<20x8x128x8x128xf32, #tpu.memory_space<hbm>> -> memref<1x1x1x8x128xf32, #tpu.memory_space<hbm>>
    %dma_wait3A_360 = tpu.memref_squeeze %dma_wait3A_359 : memref<1x1x1x8x128xf32, #tpu.memory_space<hbm>> -> memref<8x128xf32, #tpu.memory_space<hbm>>
    %dma_wait3A_361 = arith.constant 0 : i32
    %dma_wait3A_362 = tpu.memref_slice %arg8[%add3A_297, %dma_wait3A_361] : memref<128x129xf32, #tpu.memory_space<vmem>> -> memref<8x128xf32, #tpu.memory_space<vmem>>
    tpu.wait_dma2 semaphore(%dma_wait3A_356 : memref<!tpu.dma_semaphore, #tpu.memory_space<semaphore_mem>>) src(%dma_wait3A_362 : memref<8x128xf32, #tpu.memory_space<vmem>>) dst(%dma_wait3A_360 : memref<8x128xf32, #tpu.memory_space<hbm>>)
    %dma_wait3A_363 = arith.constant 3 : i32
    %dma_wait3A_364 = arith.constant 0 : i32
    %dma_wait3A_365 = tpu.memref_slice %arg8[%add3A_301, %dma_wait3A_364] : memref<128x129xf32, #tpu.memory_space<vmem>> -> memref<8x128xf32, #tpu.memory_space<vmem>>
    %dma_wait3A_366 = arith.constant 0 : i32
    %dma_wait3A_367 = arith.constant 0 : i32
    %dma_wait3A_368 = tpu.memref_slice %arg4[%rem3A_281, %dma_wait3A_363, %add3A_285, %dma_wait3A_366, %dma_wait3A_367] : memref<20x8x128x8x128xf32, #tpu.memory_space<hbm>> -> memref<1x1x1x8x128xf32, #tpu.memory_space<hbm>>
    %dma_wait3A_369 = tpu.memref_squeeze %dma_wait3A_368 : memref<1x1x1x8x128xf32, #tpu.memory_space<hbm>> -> memref<8x128xf32, #tpu.memory_space<hbm>>
    %dma_wait3A_370 = tpu.memref_slice %arg10[%rem3A_278] : memref<2x!tpu.dma_semaphore, #tpu.memory_space<semaphore_mem>> -> memref<1x!tpu.dma_semaphore, #tpu.memory_space<semaphore_mem>>
    %dma_wait3A_371 = tpu.memref_squeeze %dma_wait3A_370 : memref<1x!tpu.dma_semaphore, #tpu.memory_space<semaphore_mem>> -> memref<!tpu.dma_semaphore, #tpu.memory_space<semaphore_mem>>
    %dma_wait3A_372 = arith.constant 0 : i32
    %dma_wait3A_373 = arith.constant 0 : i32
    %dma_wait3A_374 = tpu.memref_slice %arg4[%rem3A_281, %dma_wait3A_363, %add3A_285, %dma_wait3A_372, %dma_wait3A_373] : memref<20x8x128x8x128xf32, #tpu.memory_space<hbm>> -> memref<1x1x1x8x128xf32, #tpu.memory_space<hbm>>
    %dma_wait3A_375 = tpu.memref_squeeze %dma_wait3A_374 : memref<1x1x1x8x128xf32, #tpu.memory_space<hbm>> -> memref<8x128xf32, #tpu.memory_space<hbm>>
    %dma_wait3A_376 = arith.constant 0 : i32
    %dma_wait3A_377 = tpu.memref_slice %arg8[%add3A_301, %dma_wait3A_376] : memref<128x129xf32, #tpu.memory_space<vmem>> -> memref<8x128xf32, #tpu.memory_space<vmem>>
    tpu.wait_dma2 semaphore(%dma_wait3A_371 : memref<!tpu.dma_semaphore, #tpu.memory_space<semaphore_mem>>) src(%dma_wait3A_377 : memref<8x128xf32, #tpu.memory_space<vmem>>) dst(%dma_wait3A_375 : memref<8x128xf32, #tpu.memory_space<hbm>>)
    %dma_wait3A_378 = arith.constant 4 : i32
    %dma_wait3A_379 = arith.constant 0 : i32
    %dma_wait3A_380 = tpu.memref_slice %arg8[%add3A_305, %dma_wait3A_379] : memref<128x129xf32, #tpu.memory_space<vmem>> -> memref<8x128xf32, #tpu.memory_space<vmem>>
    %dma_wait3A_381 = arith.constant 0 : i32
    %dma_wait3A_382 = arith.constant 0 : i32
    %dma_wait3A_383 = tpu.memref_slice %arg4[%rem3A_281, %dma_wait3A_378, %add3A_285, %dma_wait3A_381, %dma_wait3A_382] : memref<20x8x128x8x128xf32, #tpu.memory_space<hbm>> -> memref<1x1x1x8x128xf32, #tpu.memory_space<hbm>>
    %dma_wait3A_384 = tpu.memref_squeeze %dma_wait3A_383 : memref<1x1x1x8x128xf32, #tpu.memory_space<hbm>> -> memref<8x128xf32, #tpu.memory_space<hbm>>
    %dma_wait3A_385 = tpu.memref_slice %arg10[%rem3A_278] : memref<2x!tpu.dma_semaphore, #tpu.memory_space<semaphore_mem>> -> memref<1x!tpu.dma_semaphore, #tpu.memory_space<semaphore_mem>>
    %dma_wait3A_386 = tpu.memref_squeeze %dma_wait3A_385 : memref<1x!tpu.dma_semaphore, #tpu.memory_space<semaphore_mem>> -> memref<!tpu.dma_semaphore, #tpu.memory_space<semaphore_mem>>
    %dma_wait3A_387 = arith.constant 0 : i32
    %dma_wait3A_388 = arith.constant 0 : i32
    %dma_wait3A_389 = tpu.memref_slice %arg4[%rem3A_281, %dma_wait3A_378, %add3A_285, %dma_wait3A_387, %dma_wait3A_388] : memref<20x8x128x8x128xf32, #tpu.memory_space<hbm>> -> memref<1x1x1x8x128xf32, #tpu.memory_space<hbm>>
    %dma_wait3A_390 = tpu.memref_squeeze %dma_wait3A_389 : memref<1x1x1x8x128xf32, #tpu.memory_space<hbm>> -> memref<8x128xf32, #tpu.memory_space<hbm>>
    %dma_wait3A_391 = arith.constant 0 : i32
    %dma_wait3A_392 = tpu.memref_slice %arg8[%add3A_305, %dma_wait3A_391] : memref<128x129xf32, #tpu.memory_space<vmem>> -> memref<8x128xf32, #tpu.memory_space<vmem>>
    tpu.wait_dma2 semaphore(%dma_wait3A_386 : memref<!tpu.dma_semaphore, #tpu.memory_space<semaphore_mem>>) src(%dma_wait3A_392 : memref<8x128xf32, #tpu.memory_space<vmem>>) dst(%dma_wait3A_390 : memref<8x128xf32, #tpu.memory_space<hbm>>)
    %dma_wait3A_393 = arith.constant 5 : i32
    %dma_wait3A_394 = arith.constant 0 : i32
    %dma_wait3A_395 = tpu.memref_slice %arg8[%add3A_309, %dma_wait3A_394] : memref<128x129xf32, #tpu.memory_space<vmem>> -> memref<8x128xf32, #tpu.memory_space<vmem>>
    %dma_wait3A_396 = arith.constant 0 : i32
    %dma_wait3A_397 = arith.constant 0 : i32
    %dma_wait3A_398 = tpu.memref_slice %arg4[%rem3A_281, %dma_wait3A_393, %add3A_285, %dma_wait3A_396, %dma_wait3A_397] : memref<20x8x128x8x128xf32, #tpu.memory_space<hbm>> -> memref<1x1x1x8x128xf32, #tpu.memory_space<hbm>>
    %dma_wait3A_399 = tpu.memref_squeeze %dma_wait3A_398 : memref<1x1x1x8x128xf32, #tpu.memory_space<hbm>> -> memref<8x128xf32, #tpu.memory_space<hbm>>
    %dma_wait3A_400 = tpu.memref_slice %arg10[%rem3A_278] : memref<2x!tpu.dma_semaphore, #tpu.memory_space<semaphore_mem>> -> memref<1x!tpu.dma_semaphore, #tpu.memory_space<semaphore_mem>>
    %dma_wait3A_401 = tpu.memref_squeeze %dma_wait3A_400 : memref<1x!tpu.dma_semaphore, #tpu.memory_space<semaphore_mem>> -> memref<!tpu.dma_semaphore, #tpu.memory_space<semaphore_mem>>
    %dma_wait3A_402 = arith.constant 0 : i32
    %dma_wait3A_403 = arith.constant 0 : i32
    %dma_wait3A_404 = tpu.memref_slice %arg4[%rem3A_281, %dma_wait3A_393, %add3A_285, %dma_wait3A_402, %dma_wait3A_403] : memref<20x8x128x8x128xf32, #tpu.memory_space<hbm>> -> memref<1x1x1x8x128xf32, #tpu.memory_space<hbm>>
    %dma_wait3A_405 = tpu.memref_squeeze %dma_wait3A_404 : memref<1x1x1x8x128xf32, #tpu.memory_space<hbm>> -> memref<8x128xf32, #tpu.memory_space<hbm>>
    %dma_wait3A_406 = arith.constant 0 : i32
    %dma_wait3A_407 = tpu.memref_slice %arg8[%add3A_309, %dma_wait3A_406] : memref<128x129xf32, #tpu.memory_space<vmem>> -> memref<8x128xf32, #tpu.memory_space<vmem>>
    tpu.wait_dma2 semaphore(%dma_wait3A_401 : memref<!tpu.dma_semaphore, #tpu.memory_space<semaphore_mem>>) src(%dma_wait3A_407 : memref<8x128xf32, #tpu.memory_space<vmem>>) dst(%dma_wait3A_405 : memref<8x128xf32, #tpu.memory_space<hbm>>)
    %dma_wait3A_408 = arith.constant 6 : i32
    %dma_wait3A_409 = arith.constant 0 : i32
    %dma_wait3A_410 = tpu.memref_slice %arg8[%add3A_313, %dma_wait3A_409] : memref<128x129xf32, #tpu.memory_space<vmem>> -> memref<8x128xf32, #tpu.memory_space<vmem>>
    %dma_wait3A_411 = arith.constant 0 : i32
    %dma_wait3A_412 = arith.constant 0 : i32
    %dma_wait3A_413 = tpu.memref_slice %arg4[%rem3A_281, %dma_wait3A_408, %add3A_285, %dma_wait3A_411, %dma_wait3A_412] : memref<20x8x128x8x128xf32, #tpu.memory_space<hbm>> -> memref<1x1x1x8x128xf32, #tpu.memory_space<hbm>>
    %dma_wait3A_414 = tpu.memref_squeeze %dma_wait3A_413 : memref<1x1x1x8x128xf32, #tpu.memory_space<hbm>> -> memref<8x128xf32, #tpu.memory_space<hbm>>
    %dma_wait3A_415 = tpu.memref_slice %arg10[%rem3A_278] : memref<2x!tpu.dma_semaphore, #tpu.memory_space<semaphore_mem>> -> memref<1x!tpu.dma_semaphore, #tpu.memory_space<semaphore_mem>>
    %dma_wait3A_416 = tpu.memref_squeeze %dma_wait3A_415 : memref<1x!tpu.dma_semaphore, #tpu.memory_space<semaphore_mem>> -> memref<!tpu.dma_semaphore, #tpu.memory_space<semaphore_mem>>
    %dma_wait3A_417 = arith.constant 0 : i32
    %dma_wait3A_418 = arith.constant 0 : i32
    %dma_wait3A_419 = tpu.memref_slice %arg4[%rem3A_281, %dma_wait3A_408, %add3A_285, %dma_wait3A_417, %dma_wait3A_418] : memref<20x8x128x8x128xf32, #tpu.memory_space<hbm>> -> memref<1x1x1x8x128xf32, #tpu.memory_space<hbm>>
    %dma_wait3A_420 = tpu.memref_squeeze %dma_wait3A_419 : memref<1x1x1x8x128xf32, #tpu.memory_space<hbm>> -> memref<8x128xf32, #tpu.memory_space<hbm>>
    %dma_wait3A_421 = arith.constant 0 : i32
    %dma_wait3A_422 = tpu.memref_slice %arg8[%add3A_313, %dma_wait3A_421] : memref<128x129xf32, #tpu.memory_space<vmem>> -> memref<8x128xf32, #tpu.memory_space<vmem>>
    tpu.wait_dma2 semaphore(%dma_wait3A_416 : memref<!tpu.dma_semaphore, #tpu.memory_space<semaphore_mem>>) src(%dma_wait3A_422 : memref<8x128xf32, #tpu.memory_space<vmem>>) dst(%dma_wait3A_420 : memref<8x128xf32, #tpu.memory_space<hbm>>)
    %dma_wait3A_423 = arith.constant 7 : i32
    %dma_wait3A_424 = arith.constant 0 : i32
    %dma_wait3A_425 = tpu.memref_slice %arg8[%add3A_317, %dma_wait3A_424] : memref<128x129xf32, #tpu.memory_space<vmem>> -> memref<8x128xf32, #tpu.memory_space<vmem>>
    %dma_wait3A_426 = arith.constant 0 : i32
    %dma_wait3A_427 = arith.constant 0 : i32
    %dma_wait3A_428 = tpu.memref_slice %arg4[%rem3A_281, %dma_wait3A_423, %add3A_285, %dma_wait3A_426, %dma_wait3A_427] : memref<20x8x128x8x128xf32, #tpu.memory_space<hbm>> -> memref<1x1x1x8x128xf32, #tpu.memory_space<hbm>>
    %dma_wait3A_429 = tpu.memref_squeeze %dma_wait3A_428 : memref<1x1x1x8x128xf32, #tpu.memory_space<hbm>> -> memref<8x128xf32, #tpu.memory_space<hbm>>
    %dma_wait3A_430 = tpu.memref_slice %arg10[%rem3A_278] : memref<2x!tpu.dma_semaphore, #tpu.memory_space<semaphore_mem>> -> memref<1x!tpu.dma_semaphore, #tpu.memory_space<semaphore_mem>>
    %dma_wait3A_431 = tpu.memref_squeeze %dma_wait3A_430 : memref<1x!tpu.dma_semaphore, #tpu.memory_space<semaphore_mem>> -> memref<!tpu.dma_semaphore, #tpu.memory_space<semaphore_mem>>
    %dma_wait3A_432 = arith.constant 0 : i32
    %dma_wait3A_433 = arith.constant 0 : i32
    %dma_wait3A_434 = tpu.memref_slice %arg4[%rem3A_281, %dma_wait3A_423, %add3A_285, %dma_wait3A_432, %dma_wait3A_433] : memref<20x8x128x8x128xf32, #tpu.memory_space<hbm>> -> memref<1x1x1x8x128xf32, #tpu.memory_space<hbm>>
    %dma_wait3A_435 = tpu.memref_squeeze %dma_wait3A_434 : memref<1x1x1x8x128xf32, #tpu.memory_space<hbm>> -> memref<8x128xf32, #tpu.memory_space<hbm>>
    %dma_wait3A_436 = arith.constant 0 : i32
    %dma_wait3A_437 = tpu.memref_slice %arg8[%add3A_317, %dma_wait3A_436] : memref<128x129xf32, #tpu.memory_space<vmem>> -> memref<8x128xf32, #tpu.memory_space<vmem>>
    tpu.wait_dma2 semaphore(%dma_wait3A_431 : memref<!tpu.dma_semaphore, #tpu.memory_space<semaphore_mem>>) src(%dma_wait3A_437 : memref<8x128xf32, #tpu.memory_space<vmem>>) dst(%dma_wait3A_435 : memref<8x128xf32, #tpu.memory_space<hbm>>)
    return
  }
}

module attributes {stable_mosaic.version = 14 : i64} {
  func.func @body(%arg0: i32, %arg1: memref<10000x64xf32, #tpu.memory_space<vmem>>, %arg2: memref<10000x16xf32, #tpu.memory_space<vmem>>, %arg3: memref<16x64xf32, #tpu.memory_space<vmem>>, %arg4: memref<10000x128xf32, #tpu.memory_space<vmem>>) attributes {dimension_semantics = [#tpu.dimension_semantics<arbitrary>], iteration_bounds = array<i64: 10>, scalar_prefetch = 0 : i64, scratch_operands = 0 : i64, tpu.core_type = #tpu.core_type<tc>, window_params = [{transform_indices = @transform_0, window_bounds = array<i64: 10000, 64>}, {transform_indices = @transform_1, window_bounds = array<i64: 10000, 16>}, {pipeline_mode = #tpu.pipeline_mode<synchronous>, transform_indices = @transform_2, window_bounds = array<i64: 16, 64>}, {transform_indices = @transform_3, window_bounds = array<i64: 10000, 128>}]} {
    %get3A = arith.constant 0 : index
    %get3A_0 = arith.constant 0 : index
    %get3A_1 = vector.load %arg1[%get3A, %get3A_0] : memref<10000x64xf32, #tpu.memory_space<vmem>>, vector<10000x64xf32>
    %get3A_2 = arith.constant 0 : index
    %get3A_3 = arith.constant 0 : index
    %get3A_4 = vector.load %arg2[%get3A_2, %get3A_3] : memref<10000x16xf32, #tpu.memory_space<vmem>>, vector<10000x16xf32>
    %get3A_5 = arith.constant 0 : index
    %get3A_6 = arith.constant 0 : index
    %get3A_7 = vector.load %arg3[%get3A_5, %get3A_6] : memref<16x64xf32, #tpu.memory_space<vmem>>, vector<16x64xf32>
    %dot_general3A = arith.constant dense<0.000000e+00> : vector<10000x64xf32>
    %dot_general3A_8 = tpu.matmul %get3A_4, %get3A_7, %dot_general3A {dimension_numbers = #tpu.dot_dimension_numbers<[1], [0], [0], [1], [0, 0, 1, 1], [], []>, transpose_lhs_hint = false} : vector<10000x16xf32>, vector<16x64xf32>, vector<10000x64xf32> -> vector<10000x64xf32>
    %add3A = arith.addf %get3A_1, %dot_general3A_8 : vector<10000x64xf32>
    %swap3A = arith.constant 0 : index
    %swap3A_9 = arith.constant 0 : index
    %swap3A_10 = vector.load %arg4[%swap3A, %swap3A_9] : memref<10000x128xf32, #tpu.memory_space<vmem>>, vector<10000x64xf32>
    tpu.vector_store %arg4[%swap3A, %swap3A_9], %add3A {strides = array<i32>} : memref<10000x128xf32, #tpu.memory_space<vmem>>, vector<10000x64xf32>,
    return
  }
  func.func @transform_0(%arg0: i32) -> (i32, i32) {
    %c0_i32 = arith.constant 0 : i32
    %c0_i32_0 = arith.constant 0 : i32
    return %arg0, %c0_i32 : i32, i32
  }
  func.func @transform_1(%arg0: i32) -> (i32, i32) {
    %c0_i32 = arith.constant 0 : i32
    %c0_i32_0 = arith.constant 0 : i32
    return %arg0, %c0_i32 : i32, i32
  }
  func.func @transform_2(%arg0: i32) -> (i32, i32) {
    %c0_i32 = arith.constant 0 : i32
    %c0_i32_0 = arith.constant 0 : i32
    %c0_i32_1 = arith.constant 0 : i32
    return %c0_i32, %c0_i32_0 : i32, i32
  }
  func.func @transform_3(%arg0: i32) -> (i32, i32) {
    %c0_i32 = arith.constant 0 : i32
    %c0_i32_0 = arith.constant 0 : i32
    return %arg0, %c0_i32 : i32, i32
  }
}

</mosaic_0001>

<sc_bundles>
// kernel: kernel.4.cloned.1.call-start
scs
__scs_entry_jumppad:
0x0: {  	(pc) =	sbr.rel $0x88, $3  }
0x1: {  	(tag) =	ssettag $0x0;
	lr =	simm.s32 $0x1  }
0x2: {  	[smem:$0x3F9D] =	sst lr;
	_ =	strace $0xD0000000  }
0x3: {  	_ = 	snop  }
0x4: {  	_ = 	snop  }
0x5: {  	_ = 	snop  }
0x6: {  	_ = 	snop  }
0x7: {  	_ = 	snop  }
__scs_overlays_trampoline_lowered:
0x8: {  	[smem:$0x3FAC] =	sst s0  }
0x9: {  	[smem:$0x3FAD] =	sst s1  }
0xa: {  	[smem:$0x3FAE] =	sst s2  }
0xb: {  	[smem:$0x3FAF] =	sst s3  }
0xc: {  	[smem:$0x3FB0] =	sst s4  }
0xd: {  	[smem:$0x3FB1] =	sst s5  }
0xe: {  	[smem:$0x3FB2] =	sst s6  }
0xf: {  	[smem:$0x3FB3] =	sst s7  }
0x10: {  	[smem:$0x3FB4] =	sst s8  }
0x11: {  	[smem:$0x3FB5] =	sst s9;
	s0 =	simm.s32 @!p0 $0x0  }
0x12: {  	s1 =	sld [smem:$0x3F9B];
	s0 =	simm.s32 @p0 $0x1  }
0x13: {  	[smem:$0x3FB6] =	sst s0;
	s0 =	simm.s32 @!p1 $0x0  }
0x14: {  	s2 =	sld [smem:$0x3F9A];
	s0 =	simm.s32 @p1 $0x1  }
0x15: {  	[smem:$0x3FB7] =	sst s0;
	s0 =	simm.s32 @!p2 $0x0  }
0x16: {  	s3 =	sld [smem:$0x3FDB];
	s0 =	simm.s32 @p2 $0x1  }
0x17: {  	s4 =	simm.s32 $0x1BF5;
	[smem:$0x3FB9] =	sst s0  }
0x18: {  	s0 =	sld [smem:$0x3F9C];
	_ =	swait.ge [sflag:s4], $0x0  }
0x19: {  	s7 =	sld [smem:$0x3F9D]  }
0x1a: {  	s8 =	sadd.s32 $0xFFFFE003, lr  }
0x1b: {  	s9 =	sadd.s32 $0xFFFFFEF7, lr;
	s5 =	simm.s32 $0xFFFFFFFF;
	p2 =	slt.u32 s8, $0xFFFFF086  }
0x1c: {  	p1 =	slt.u32 s9, $0xF7A;
	s5 =	simm.s32 @!p2 $0x0  }
0x1d: {  	s5 =	simm.s32 @p1 $0x1;
	p0 =	seq.s32 s7, s2  }
0x1e: {  	s7 =	smul.u32 @!p0 $0xF7A, s2;
	p2 =	seq.s32 @!p0 s5, $0x0  }
0x1f: {  	s9 =	smul.u32 $0xF7A, s1;
	s8 =	simm.s32 @!p0 $0x1BF5;
	p2 =	por !p2, p0  }
0x20: {  	[sflag:s8] =	ssyncset.s32 @!p0 $0xFFFFF086;
	s6 =	sadd.s32 @!p0 s3, s7;
	s7 =	simm.s32 @!p0 $0x108  }
0x21: {  	s3 =	sadd.s32 s3, s9;
	s6 =	sadd.s32 @!p0 $0x88, s6;
	s7 =	simm.s32 @p2 $0x1082  }
0x22: {  	[simem:s7], [sflag:s8] =	dma.local @!p0 [hbm:s6], $0xF7A  }
0x23: {  	s9 =	sor.u32 $0xD0000000, s2;
	s6 =	simm.s32 $0x108;
	_ =	swait.ge @!p0 [sflag:s8], $0x0  }
0x24: {  	s3 =	sadd.s32 $0x88, s3;
	s6 =	simm.s32 @!p1 $0x1082;
	[sflag:s4] =	ssyncset.s32 $0xFFFFF086  }
0x25: {  	[simem:s6], [sflag:s4] =	dma.local [hbm:s3], $0xF7A  }
0x26: {  	[smem:$0x3F9D] =	sst s1;
	(tag) =	ssettag s2;
	_ =	strace s9  }
0x27: {  	s1 =	sld [smem:$0x3FAD]  }
0x28: {  	s2 =	sld [smem:$0x3FAE]  }
0x29: {  	s4 =	sld [smem:$0x3FB0]  }
0x2a: {  	p0 =	seq.s32 s5, $0x0;
	s5 =	sld [smem:$0x3FB1]  }
0x2b: {  	s6 =	sld [smem:$0x3FB2]  }
0x2c: {  	s7 =	sld [smem:$0x3FB3]  }
0x2d: {  	s3 =	simm.s32 $0x108;
	s8 =	sld [smem:$0x3FB4]  }
0x2e: {  	s3 =	simm.s32 @!p0 $0x1082;
	s9 =	sld [smem:$0x3FB5]  }
0x2f: {  	lr =	sadd.s32 s0, s3;
	s0 =	sld [smem:$0x3FAC]  }
0x30: {  	s3 =	sld [smem:$0x3FAF]  }
0x31: {  	[smem:$0x3FB8] =	sst s10  }
0x32: {  	s10 =	sld [smem:$0x3FB6];
	_ =	sdelay $0x3  }
0x33: {  	p0 =	seq.s32 s10, $0x1;
	s10 =	sld [smem:$0x3FB8];
	_ =	sdelay $0x3  }
0x34: {  	[smem:$0x3FB8] =	sst s10  }
0x35: {  	s10 =	sld [smem:$0x3FB7];
	_ =	sdelay $0x3  }
0x36: {  	p1 =	seq.s32 s10, $0x1;
	s10 =	sld [smem:$0x3FB8];
	_ =	sdelay $0x3  }
0x37: {  	[smem:$0x3FB8] =	sst s10  }
0x38: {  	s10 =	sld [smem:$0x3FB9]  }
0x39: {  	_ = 	snop;
	(pc) =	sbr.ind lr, $3  }
0x3a: {  	_ = 	snop  }
0x3b: {  	_ = 	snop  }
0x3c: {  	p2 =	seq.s32 s10, $0x1;
	s10 =	sld [smem:$0x3FB8]  }
0x3d: {  	_ =	shalt  }
0x3e: {  	_ =	shalt  }
0x3f: {  	_ =	shalt  }
0x40: {  	_ =	shalt  }
0x41: {  	_ =	shalt  }
0x42: {  	_ =	shalt  }
0x43: {  	_ =	shalt  }
0x44: {  	_ =	shalt  }
0x45: {  	_ =	shalt  }
0x46: {  	_ =	shalt  }
0x47: {  	_ =	shalt  }
0x48: {  	_ =	shalt  }
0x49: {  	_ =	shalt  }
0x4a: {  	_ =	shalt  }
0x4b: {  	_ =	shalt  }
0x4c: {  	_ =	shalt  }
0x4d: {  	_ =	shalt  }
0x4e: {  	_ =	shalt  }
0x4f: {  	_ =	shalt  }
0x50: {  	_ =	shalt  }
0x51: {  	_ =	shalt  }
0x52: {  	_ =	shalt  }
0x53: {  	_ =	shalt  }
0x54: {  	_ =	shalt  }
0x55: {  	_ =	shalt  }
0x56: {  	_ =	shalt  }
0x57: {  	_ =	shalt  }
0x58: {  	_ =	shalt  }
0x59: {  	_ =	shalt  }
0x5a: {  	_ =	shalt  }
0x5b: {  	_ =	shalt  }
0x5c: {  	_ =	shalt  }
0x5d: {  	_ =	shalt  }
0x5e: {  	_ =	shalt  }
0x5f: {  	_ =	shalt  }
0x60: {  	_ =	shalt  }
0x61: {  	_ =	shalt  }
0x62: {  	_ =	shalt  }
0x63: {  	_ =	shalt  }
0x64: {  	_ =	shalt  }
0x65: {  	_ =	shalt  }
0x66: {  	_ =	shalt  }
0x67: {  	_ =	shalt  }
0x68: {  	_ =	shalt  }
0x69: {  	_ =	shalt  }
0x6a: {  	_ =	shalt  }
0x6b: {  	_ =	shalt  }
0x6c: {  	_ =	shalt  }
0x6d: {  	_ =	shalt  }
0x6e: {  	_ =	shalt  }
0x6f: {  	_ =	shalt  }
0x70: {  	_ =	shalt  }
0x71: {  	_ =	shalt  }
0x72: {  	_ =	shalt  }
0x73: {  	_ =	shalt  }
0x74: {  	_ =	shalt  }
0x75: {  	_ =	shalt  }
0x76: {  	_ =	shalt  }
0x77: {  	_ =	shalt  }
0x78: {  	_ =	shalt  }
0x79: {  	_ =	shalt  }
0x7a: {  	_ =	shalt  }
0x7b: {  	_ =	shalt  }
0x7c: {  	_ =	shalt  }
0x7d: {  	_ =	shalt  }
0x7e: {  	_ =	shalt  }
0x7f: {  	_ =	shalt  }
0x80: {  	_ =	shalt  }
0x81: {  	_ =	shalt  }
0x82: {  	_ =	shalt  }
0x83: {  	_ =	shalt  }
0x84: {  	_ =	shalt  }
0x85: {  	_ =	shalt  }
0x86: {  	_ =	shalt  }
0x87: {  	_ =	shalt  }
.Lfunc_end0:
.L_simem_size_0:
called_computation_lowered:
.L_overlay_start_0:
0x88: {  	s2 =	sld [smem:$0x3FD9]  }
0x89: {  	s3 =	sld [smem:$0x3FFE];
	_ =	sdelay $0x1  }
0x8a: {  	s1 =	srdreg.scid  }
0x8b: {  	s0 =	sand.u32 $0x1, s1  }
0x8c: {  	s17 =	sshll.u32 s0, $0xA;
	s2 =	sadd.s32 s3, s2  }
0x8d: {  	s2 =	sadd.s32 s2, s17  }
0x8e: {  	[smem:$0x3FC4] =	sst s2  }
0x8f: {  	_ = 	snop  }
0x90: {  	s2 =	sld [smem:$0x3FD0];
	(tm) =	ssettm $0x1  }
0x91: {  	s18 =	sld [smem:$0x3FFB];
	_ =	sdelay $0x3  }
0x92: {  	_ =	strace s18  }
0x93: {  	s3 =	sld [smem:$0x3FFC];
	_ =	sdelay $0x3  }
0x94: {  	_ =	strace s3  }
0x95: {  	s3 =	sld [smem:$0x3FFD];
	_ =	sdelay $0x3  }
0x96: {  	_ =	strace s3  }
0x97: {  	_ =	strace $0x8FFFFFFF  }
0x98: {  	s19 =	sld [smem:$0x3FDB];
	_ =	sdelay $0x1  }
0x99: {  	s4 =	simm.s32 $_scs_section_size  }
0x9a: {  	s5 =	simm.s32 $_size__tile_overlayer_lowered;
	s6 =	simm.s32 $_tile_overlayer_lowered  }
0x9b: {  	s22 =	simm.s32 $0x1BFF;
	s21 =	sshll.u32 s6, $0x1;
	s3 =	sadd.s32 s4, s19  }
0x9c: {  	s7 =	simm.s32 $0x0;
	s20 =	sshll.u32 s5, $0x1;
	s5 =	sadd.s32 s21, s3  }
0x9d: {  	[timem:s7], [sflag:s22] =	dma.local [hbm:s5], s20  }
0x9e: {  	_ =	swait.ge [sflag:s22], s20  }
0x9f: {  	s4 =	ssub.s32 $0x0, s20;
	[sflag:s22] =	ssyncset.done $0x0  }
0xa0: {  	[sflag:s22] =	ssyncadd.s32 s4;
	_ =	sdelay $0x1  }
0xa1: {  	s23 =	simm.s32 $0x1B8B  }
0xa2: {  	_ =	swait.ge [sflag:s23], $0x1  }
0xa3: {  	[sflag:s23] =	ssyncset.done $0x0  }
0xa4: {  	s25 =	simm.s32 $0x1B8E;
	s24 =	sld [smem:$0x3FFE];
	[sflag:s23] =	ssyncadd.s32 $0xFFFFFFFF  }
0xa5: {  	s26 =	simm.s32 $execute0_lowered;
	[smem:$0x3FD2] =	sst s25  }
0xa6: {  	s5 =	sshll.u32 s26, $0x1;
	_ =	strace $0x80000046;
	[dreg:$0x1] =	wrdreg $0xFFFFFFFF  }
0xa7: {  	s28 =	simm.s32 $_size_execute0_lowered;
	s3 =	sadd.s32 s3, s5;
	[dreg:$0x0] =	wrdreg $0x0  }
0xa8: {  	s5 =	sshll.u32 s28, $0x1;
	[dreg:$0x2] =	wrdreg s3  }
0xa9: {  	[dreg:$0x3] =	wrdreg s5  }
0xaa: {  	[dreg:$0x4] =	wrdreg $0xC0  }
0xab: {  	_ =	task [dreg:s7], $0x5FFFF  }
0xac: {  	[dreg:$0x1] =	wrdreg $0xFFFFFFFF  }
0xad: {  	[dreg:$0x0] =	wrdreg $0x60  }
0xae: {  	[dreg:$0x2] =	wrdreg s24  }
0xaf: {  	[dreg:$0x3] =	wrdreg s2  }
0xb0: {  	[dreg:$0x4] =	wrdreg $0x9  }
0xb1: {  	_ =	task.clear_ibuf [dreg:s7], $0x5FFFF;
	_ =	strace $0x90000046  }
0xb2: {  	s29 =	simm.s32 $0x9;
	_ =	strace $0x80000048  }
0xb3: {  	_ =	swait.ge [sflag:s29], $0x1  }
0xb4: {  	[sflag:s29] =	ssyncadd.s32 $0xFFFFFFFF  }
0xb5: {  	_ =	strace $0x90000048  }
0xb6: {  	_ =	sfence  }
0xb7: {  	s30 =	sld [smem:$0x0];
	_ =	sdelay $0x2  }
0xb8: {  	s31 =	sshll.u32 s1, $0xD;
	s1 =	sshrl.u32 s1, $0x2  }
0xb9: {  	s3 =	sand.u32 $0x4000, s31;
	s1 =	sadd.s32 s1, s30  }
0xba: {  	s0 =	sor.u32 s3, s0;
	s1 =	sshll.u32 s1, $0x11  }
0xbb: {  	s0 =	sor.u32 s1, s0  }
0xbc: {  	s0 =	sadd.s32 $0x8F2B, s0  }
0xbd: {  	[sflag:s0] =	ssyncadd.remote.s32 $0x1  }
0xbe: {  	_ =	sfence.sel $0xFFFF  }
0xbf: {  	[dreg:$0x0] =	wrdreg $0xFFFFFFFF;
	(pc) =	sbr.abs _section_cstart, $3  }
0xc0: {  	[dreg:$0x1] =	wrdreg $0xFFFFFFFF  }
0xc1: {  	_ =	task.clear_ibuf [dreg:s7], $0x2FFFF;
	_ =	strace $0x9FFFFFFF  }
0xc2: {  	(tm) =	ssettm $0x7FFFFFFF  }
0xc3: {  	_ =	shalt  }
tec
execute0_lowered:
.L_overlay_start_1:
0x0: {  	(tag) =	ssettag $0x1  }
0x1: {  	v0 =	vlaneseq.u32  }
0x2: {  	v1 =	vmul.u32 $0x14, v0;
	_ =	sdelay $0x1  }
0x3: {  	v2 =	vadd.s32 $0x140, v1;
	[tilespmem:$0x1FE20] =	vst v1  }
0x4: {  	v28 =	vadd.s32 $0x280, v1;
	[tilespmem:$0x1FDC0] =	vst v2  }
0x5: {  	v30 =	vadd.s32 $0x3C0, v1;
	[tilespmem:$0x1FDD0] =	vst v28  }
0x6: {  	v31 =	vadd.s32 $0x500, v1;
	[tilespmem:$0x1FDE0] =	vst v30  }
0x7: {  	v32 =	vadd.s32 $0x640, v1;
	[tilespmem:$0x1FDF0] =	vst v31  }
0x8: {  	v29 =	vmul.u32 $0x88, v0;
	v33 =	vadd.s32 $0x780, v1;
	[tilespmem:$0x1FE00] =	vst v32  }
0x9: {  	v34 =	vadd.s32 $0x8C0, v1;
	[tilespmem:$0x1FE10] =	vst v33  }
0xa: {  	v35 =	vor.u32 $0x1, v29;
	[tilespmem:$0x1FE30] =	vst v34  }
0xb: {  	v36 =	vor.u32 $0x2, v29;
	[tilespmem:$0x1FE40] =	vst v35  }
0xc: {  	v37 =	vor.u32 $0x3, v29;
	[tilespmem:$0x1FE50] =	vst v36  }
0xd: {  	v38 =	vor.u32 $0x4, v29;
	[tilespmem:$0x1FE60] =	vst v37  }
0xe: {  	v39 =	vor.u32 $0x5, v29;
	[tilespmem:$0x1FE70] =	vst v38  }
0xf: {  	v40 =	vor.u32 $0x6, v29;
	[tilespmem:$0x1FE80] =	vst v39  }
0x10: {  	v41 =	vor.u32 $0x7, v29;
	[tilespmem:$0x1FE90] =	vst v40  }
0x11: {  	v42 =	vadd.s32 $0x880, v29;
	[tilespmem:$0x1FEA0] =	vst v41  }
0x12: {  	v43 =	vadd.s32 $0x1100, v29;
	[tilespmem:$0x1FEB0] =	vst v42  }
0x13: {  	v44 =	vadd.s32 $0x1980, v29;
	[tilespmem:$0x1FEC0] =	vst v43  }
0x14: {  	v45 =	vadd.s32 $0x881, v29;
	[tilespmem:$0x1FED0] =	vst v44  }
0x15: {  	v46 =	vadd.s32 $0x1101, v29;
	[tilespmem:$0x1FEE0] =	vst v45  }
0x16: {  	v47 =	vadd.s32 $0x1981, v29;
	[tilespmem:$0x1FEF0] =	vst v46  }
0x17: {  	v48 =	vadd.s32 $0x882, v29;
	[tilespmem:$0x1FF00] =	vst v47  }
0x18: {  	s5 =	rddreg [dreg:$0x0];
	v49 =	vadd.s32 $0x1102, v29;
	[tilespmem:$0x1FF10] =	vst v48  }
0x19: {  	s2 =	rddreg [dreg:$0x1];
	s3 =	simm.s32 $0x0;
	v50 =	vadd.s32 $0x1982, v29;
	[tilespmem:$0x1FF20] =	vst v49  }
0x1a: {  	s1 =	srdreg.scid;
	[smem:$0x7FF] =	sst s3;
	v51 =	vadd.s32 $0x883, v29;
	[tilespmem:$0x1FF30] =	vst v50  }
0x1b: {  	s4 =	sand.u32 $0x1, s1;
	s1 =	rddreg [dreg:$0x2];
	v52 =	vadd.s32 $0x1103, v29;
	_ =	strace $0x80000047;
	[tilespmem:$0x1FF40] =	vst v51  }
0x1c: {  	v53 =	vadd.s32 $0x1983, v29;
	[tilespmem:$0x1FF50] =	vst v52  }
0x1d: {  	v54 =	vadd.s32 $0x884, v29;
	[tilespmem:$0x1FF60] =	vst v53  }
0x1e: {  	v55 =	vadd.s32 $0x1104, v29;
	[tilespmem:$0x1FF70] =	vst v54  }
0x1f: {  	v56 =	vadd.s32 $0x1984, v29;
	[tilespmem:$0x1FF80] =	vst v55  }
0x20: {  	s0 =	stileid.u32;
	s9 =	simm.s32 $0x80;
	v57 =	vadd.s32 $0x885, v29;
	[tilespmem:$0x1FF90] =	vst v56  }
0x21: {  	s10 =	simm.s32 $0x2800;
	s11 =	simm.s32 $0x2900;
	s6 =	sshll.u32 s0, $0x1;
	v58 =	vadd.s32 $0x1105, v29;
	[tilespmem:$0x1FFA0] =	vst v57  }
0x22: {  	s12 =	simm.s32 $0x6900;
	s13 =	simm.s32 $0x3;
	s6 =	sor.u32 s4, s6;
	v59 =	vadd.s32 $0x1985, v29;
	[tilespmem:$0x1FFB0] =	vst v58  }
0x23: {  	s14 =	simm.s32 $0x4;
	s8 =	ssub.s32 $0x2, s4;
	s7 =	smul.u32 $0x500, s6;
	v60 =	vadd.s32 $0x886, v29;
	[tilespmem:$0x1FFC0] =	vst v59  }
0x24: {  	v63 =	vimm.s32 $0x0;
	s15 =	simm.s32 $0x0;
	s4 =	sadd.s32 $0x191400, s5;
	s31 =	sshrl.u32 s8, $0x1;
	v61 =	vadd.s32 $0x1106, v29;
	[tilespmem:$0x1FFD0] =	vst v60  }
0x25: {  	vm0 =	vcmask $0x300;
	s6 =	sshll.u32 s6, $0xC;
	v62 =	vadd.s32 $0x1986, v29;
	v37 =	vadd.s32 $0x887, v29;
	s5 =	sadd.s32 s7, s5;
	s7 =	ssub.s32 s8, s31;
	[tilespmem:$0x1FFE0] =	vst v61  }
0x26: {  	v38 =	vadd.s32 $0x1107, v29;
	v39 =	vadd.s32 $0x1987, v29;
	v40 =	vsel vm0, $0x3, v63;
	s8 =	simm.s32 $0x5;
	[tilespmem:$0x1FFF0] =	vst v62;
	s5 =	sadd.s32 $0x187400, s5;
	s7 =	smax.u32 s7, $0x1;
	v36 =	vmovc v29  }
.LBB2_1:
0x27: {  	[tilespmem:s3], [sflag:$0x5] =	stream.linear.gather [hbm4b:s5+s3], $0x2800, $0x38;
	[tilespmem:$0xAD00] =	vst v63  }
0x28: {  	_ =	swait.ge [sflag:s8], $0x2800  }
0x29: {  	v0 =	vld [tilespmem:$0x1FE20];
	_ =	sdelay $0x5  }
0x2a: {  	[sflag:s8] =	ssyncset.done $0x0  }
0x2b: {  	v57 =	vld [tilespmem:$0x1FDC0];
	[sflag:s8] =	ssyncadd.s32 $0xFFFFD800  }
0x2c: {  	v0 =	vld.idx.msk [tilespmem:v0+s3+$0x0], $0xffff;
	_ =	sdelay $0x4  }
0x2d: {  	v0 =	vshll.u32 v0, $0x1  }
0x2e: {  	v58 =	vld [tilespmem:$0x1FDD0];
	[tilespmem:$0x2800] =	vst v0  }
0x2f: {  	v0 =	vld.idx.msk [tilespmem:v57+s3+$0x0], $0xffff;
	_ =	sdelay $0x4  }
0x30: {  	v0 =	vshll.u32 v0, $0x1  }
0x31: {  	v59 =	vld [tilespmem:$0x1FDE0];
	[tilespmem:$0x2810] =	vst v0  }
0x32: {  	v0 =	vld.idx.msk [tilespmem:v58+s3+$0x0], $0xffff;
	_ =	sdelay $0x4  }
0x33: {  	v0 =	vshll.u32 v0, $0x1  }
0x34: {  	v60 =	vld [tilespmem:$0x1FDF0];
	[tilespmem:$0x2820] =	vst v0  }
0x35: {  	v0 =	vld.idx.msk [tilespmem:v59+s3+$0x0], $0xffff;
	_ =	sdelay $0x4  }
0x36: {  	v0 =	vshll.u32 v0, $0x1  }
0x37: {  	v61 =	vld [tilespmem:$0x1FE00];
	[tilespmem:$0x2830] =	vst v0  }
0x38: {  	v0 =	vld.idx.msk [tilespmem:v60+s3+$0x0], $0xffff;
	_ =	sdelay $0x4  }
0x39: {  	v0 =	vshll.u32 v0, $0x1  }
0x3a: {  	v62 =	vld [tilespmem:$0x1FE10];
	[tilespmem:$0x2840] =	vst v0  }
0x3b: {  	v0 =	vld.idx.msk [tilespmem:v61+s3+$0x0], $0xffff;
	_ =	sdelay $0x4  }
0x3c: {  	v0 =	vshll.u32 v0, $0x1  }
0x3d: {  	v63 =	vld [tilespmem:$0x1FE30];
	[tilespmem:$0x2850] =	vst v0  }
0x3e: {  	v0 =	vld.idx.msk [tilespmem:v62+s3+$0x0], $0xffff;
	_ =	sdelay $0x4  }
0x3f: {  	v0 =	vshll.u32 v0, $0x1  }
0x40: {  	[tilespmem:$0x2860] =	vst v0  }
0x41: {  	v0 =	vld.idx.msk [tilespmem:v63+s3+$0x0], $0xffff;
	_ =	sdelay $0x4  }
0x42: {  	v0 =	vshll.u32 v0, $0x1  }
0x43: {  	p0 =	por $0x0, $0x0;
	s17 =	simm.s32 $0x0;
	[tilespmem:$0x2870] =	vst v0  }
0x44: {  	[tilespmem:s11], [sflag:$0x1] =	stream.indirect.gather [hbm4b:s4+s9], $0x40, s10, s9, $0xb8;
	[tilespmem:$0xAD00] =	vst v63  }
.LBB2_2:
0x45: {  	s16 =	sadd.s32 $0x1, s17;
	p1 =	seq.s32 s17, $0x4F  }
0x46: {  	s18 =	smul.u32 @!p1 $0xCD, s16;
	_ =	sdelay $0x1  }
0x47: {  	s18 =	sshrl.u32 @!p1 s18, $0xC  }
0x48: {  	s18 =	sand.u32 @!p1 $0xF, s18  }
0x49: {  	s19 =	smul.u32 @!p1 $0x14, s18;
	_ =	sdelay $0x1  }
0x4a: {  	v0 =	vlaneseq.u32 @!p1;
	s18 =	smul.u32 @!p1 $0xA00, s18;
	s19 =	ssub.s32 @!p1 s16, s19  }
0x4b: {  	v0 =	vmul.u32 @!p1 $0x14, v0;
	s19 =	sand.u32 @!p1 $0xFF, s19  }
0x4c: {  	s19 =	sor.u32 @!p1 s19, s18  }
0x4d: {  	v1 =	vadd.s32 @!p1 s19, v0;
	_ =	sdelay $0x3  }
0x4e: {  	s20 =	simm.s32 @!p1 $0x0  }
0x4f: {  	v1 =	vld.idx.msk @!p1 [tilespmem:v1+s20+$0x0], $0xffff  }
0x50: {  	s18 =	sor.u32 @!p1 $0x140, s19  }
0x51: {  	v2 =	vadd.s32 @!p1 s18, v0  }
0x52: {  	s18 =	sand.u32 $0x1, s17  }
0x53: {  	s21 =	sxor.u32 @!p1 $0x1, s18  }
0x54: {  	s22 =	sshll.u32 @!p1 s21, $0x7;
	v1 =	vshll.u32 @!p1 v1, $0x1  }
0x55: {  	[tilespmem:s22+$0x2800] =	vst @!p1 v1  }
0x56: {  	v1 =	vld.idx.msk @!p1 [tilespmem:v2+s20+$0x0], $0xffff  }
0x57: {  	s23 =	sadd.s32 @!p1 $0x280, s19  }
0x58: {  	v2 =	vadd.s32 @!p1 s23, v0;
	_ =	sdelay $0x2  }
0x59: {  	v1 =	vshll.u32 @!p1 v1, $0x1  }
0x5a: {  	[tilespmem:s22+$0x2810] =	vst @!p1 v1  }
0x5b: {  	v1 =	vld.idx.msk @!p1 [tilespmem:v2+s20+$0x0], $0xffff  }
0x5c: {  	s23 =	sadd.s32 @!p1 $0x3C0, s19  }
0x5d: {  	v2 =	vadd.s32 @!p1 s23, v0;
	_ =	sdelay $0x2  }
0x5e: {  	v1 =	vshll.u32 @!p1 v1, $0x1  }
0x5f: {  	[tilespmem:s22+$0x2820] =	vst @!p1 v1  }
0x60: {  	v1 =	vld.idx.msk @!p1 [tilespmem:v2+s20+$0x0], $0xffff  }
0x61: {  	s23 =	sadd.s32 @!p1 $0x500, s19  }
0x62: {  	v2 =	vadd.s32 @!p1 s23, v0;
	_ =	sdelay $0x2  }
0x63: {  	v1 =	vshll.u32 @!p1 v1, $0x1  }
0x64: {  	[tilespmem:s22+$0x2830] =	vst @!p1 v1  }
0x65: {  	v1 =	vld.idx.msk @!p1 [tilespmem:v2+s20+$0x0], $0xffff  }
0x66: {  	s23 =	sadd.s32 @!p1 $0x640, s19  }
0x67: {  	v2 =	vadd.s32 @!p1 s23, v0;
	_ =	sdelay $0x2  }
0x68: {  	v1 =	vshll.u32 @!p1 v1, $0x1  }
0x69: {  	[tilespmem:s22+$0x2840] =	vst @!p1 v1  }
0x6a: {  	v1 =	vld.idx.msk @!p1 [tilespmem:v2+s20+$0x0], $0xffff  }
0x6b: {  	s23 =	sadd.s32 @!p1 $0x780, s19  }
0x6c: {  	v2 =	vadd.s32 @!p1 s23, v0;
	_ =	sdelay $0x2  }
0x6d: {  	v1 =	vshll.u32 @!p1 v1, $0x1  }
0x6e: {  	[tilespmem:s22+$0x2850] =	vst @!p1 v1  }
0x6f: {  	v1 =	vld.idx.msk @!p1 [tilespmem:v2+s20+$0x0], $0xffff  }
0x70: {  	s19 =	sadd.s32 @!p1 $0x8C0, s19  }
0x71: {  	v0 =	vadd.s32 @!p1 s19, v0;
	_ =	sdelay $0x2  }
0x72: {  	v1 =	vshll.u32 @!p1 v1, $0x1  }
0x73: {  	[tilespmem:s22+$0x2860] =	vst @!p1 v1  }
0x74: {  	v0 =	vld.idx.msk @!p1 [tilespmem:v0+s20+$0x0], $0xffff;
	_ =	sdelay $0x4  }
0x75: {  	s19 =	sor.u32 @!p1 $0x2800, s22;
	s20 =	sshll.u32 @!p1 s21, $0xD;
	v0 =	vshll.u32 @!p1 v0, $0x1  }
0x76: {  	s21 =	sadd.s32 @!p1 $0x1, s21;
	s20 =	sadd.s32 @!p1 $0x2900, s20;
	[tilespmem:s22+$0x2870] =	vst @!p1 v0;
	s22 =	simm.s32 @!p1 $0x80  }
0x77: {  	[tilespmem:s20], [sflag:s21] =	stream.indirect.gather @!p1 [hbm4b:s4+s22], $0x40, s19, s22, $0xb8;
	[tilespmem:$0xAD00] =	vst v63  }
0x78: {  	s22 =	sadd.s32 $0x1, s18  }
0x79: {  	_ =	swait.ge [sflag:s22], $0x2000  }
0x7a: {  	p1 =	slt.u32 s17, $0x2;
	[sflag:s22] =	ssyncset.done $0x0  }
0x7b: {  	s20 =	sadd.s32 @!p1 $0x3, s18;
	[sflag:s22] =	ssyncadd.s32 $0xFFFFE000  }
0x7c: {  	_ =	swait.ge @!p1 [sflag:s20], $0x400  }
0x7d: {  	[sflag:s20] =	ssyncset.done @!p1 $0x0  }
0x7e: {  	[sflag:s20] =	ssyncadd.s32 @!p1 $0xFFFFFC00  }
0x7f: {  	_ =	swait.ge @!p1 [sflag:s20], $0x400  }
0x80: {  	[sflag:s20] =	ssyncset.done @!p1 $0x0  }
0x81: {  	[sflag:s20] =	ssyncadd.s32 @!p1 $0xFFFFFC00  }
0x82: {  	_ =	swait.ge @!p1 [sflag:s20], $0x400  }
0x83: {  	[sflag:s20] =	ssyncset.done @!p1 $0x0  }
0x84: {  	[sflag:s20] =	ssyncadd.s32 @!p1 $0xFFFFFC00  }
0x85: {  	s23 =	sshll.u32 s18, $0x6;
	_ =	swait.ge @!p1 [sflag:s20], $0x400  }
0x86: {  	v0 =	vmov s23;
	[sflag:s20] =	ssyncset.done @!p1 $0x0  }
0x87: {  	v0 =	vmul.u32 $0x88, v0;
	[sflag:s20] =	ssyncadd.s32 @!p1 $0xFFFFFC00  }
0x88: {  	_ =	swait.ge @!p1 [sflag:s20], $0x400  }
0x89: {  	v63 =	vbroadcast v0, $0x0;
	v0 =	vld [tilespmem:$0x1FE40];
	_ =	sdelay $0x4  }
0x8a: {  	v53 =	vadd.s32 v0, v63;
	v0 =	vld [tilespmem:$0x1FE50];
	_ =	sdelay $0x4  }
0x8b: {  	v51 =	vadd.s32 v0, v63;
	v0 =	vld [tilespmem:$0x1FE60];
	_ =	sdelay $0x1  }
0x8c: {  	[sflag:s20] =	ssyncset.done @!p1 $0x0  }
0x8d: {  	[sflag:s20] =	ssyncadd.s32 @!p1 $0xFFFFFC00  }
0x8e: {  	_ =	swait.ge @!p1 [sflag:s20], $0x400  }
0x8f: {  	v50 =	vadd.s32 v0, v63;
	v0 =	vld [tilespmem:$0x1FE70];
	_ =	sdelay $0x4  }
0x90: {  	v49 =	vadd.s32 v0, v63;
	v0 =	vld [tilespmem:$0x1FE80];
	_ =	sdelay $0x4  }
0x91: {  	v47 =	vadd.s32 v0, v63;
	v0 =	vld [tilespmem:$0x1FE90];
	_ =	sdelay $0x4  }
0x92: {  	v46 =	vadd.s32 v0, v63;
	v0 =	vld [tilespmem:$0x1FEA0];
	_ =	sdelay $0x4  }
0x93: {  	v56 =	vadd.s32 v0, v63;
	v0 =	vld [tilespmem:$0x1FEB0];
	_ =	sdelay $0x4  }
0x94: {  	v44 =	vadd.s32 v0, v63;
	v0 =	vld [tilespmem:$0x1FEC0];
	_ =	sdelay $0x4  }
0x95: {  	v42 =	vadd.s32 v0, v63;
	v0 =	vld [tilespmem:$0x1FED0];
	_ =	sdelay $0x4  }
0x96: {  	v41 =	vadd.s32 v0, v63;
	v0 =	vld [tilespmem:$0x1FEE0];
	_ =	sdelay $0x4  }
0x97: {  	v48 =	vadd.s32 v0, v63;
	v0 =	vld [tilespmem:$0x1FEF0];
	_ =	sdelay $0x1  }
0x98: {  	[sflag:s20] =	ssyncset.done @!p1 $0x0  }
0x99: {  	[sflag:s20] =	ssyncadd.s32 @!p1 $0xFFFFFC00  }
0x9a: {  	_ =	swait.ge @!p1 [sflag:s20], $0x400  }
0x9b: {  	v45 =	vadd.s32 v0, v63;
	v0 =	vld [tilespmem:$0x1FF00]  }
0x9c: {  	s30 =	simm.s32 $0x7  }
0x9d: {  	v5 =	vmov s30  }
0x9e: {  	v5 =	vshrl.u32 v5, $0x3  }
0x9f: {  	s24 =	simm.s32 $0x0;
	s25 =	simm.s32 $0x1;
	v5 =	vshll.u32 v5, v40;
	[sflag:s20] =	ssyncset.done @!p1 $0x0  }
0xa0: {  	s26 =	simm.s32 $0x2;
	v10 =	vbroadcast v5, $0x0;
	s21 =	simm.s32 $0x1;
	[sflag:s20] =	ssyncadd.s32 @!p1 $0xFFFFFC00;
	v43 =	vadd.s32 v0, v63;
	v0 =	vmov s24  }
0xa1: {  	v2 =	vmov s26;
	v1 =	vmov s25;
	s21 =	simm.s32 @!p0 $0x0;
	_ =	swait.ge @!p1 [sflag:s20], $0x400;
	v0 =	vshrl.u32 v0, $0x3  }
0xa2: {  	v2 =	vshrl.u32 v2, $0x3;
	v1 =	vshrl.u32 v1, $0x3;
	s23 =	sshll.u32 s21, $0xD;
	[sflag:s20] =	ssyncset.done @!p1 $0x0;
	v0 =	vshll.u32 v0, v40  }
0xa3: {  	s19 =	sadd.s32 $0x2A00, s23;
	v54 =	vadd.s32 v36, v63;
	[sflag:s20] =	ssyncadd.s32 @!p1 $0xFFFFFC00;
	v9 =	vbroadcast v0, $0x0;
	v0 =	vshll.u32 v1, v40  }
0xa4: {  	v1 =	vld [tilespmem:s19+$0xC0];
	v16 =	vbroadcast v0, $0x0;
	v0 =	vshll.u32 v2, v40;
	v2 =	vadd.s32 v56, v10  }
0xa5: {  	v5 =	vld [tilespmem:s19+$0xFFFFFF00];
	v8 =	vadd.s32 v54, v9  }
0xa6: {  	s28 =	simm.s32 $0x3  }
0xa7: {  	v3 =	vmov s28  }
0xa8: {  	v3 =	vshrl.u32 v3, $0x3  }
0xa9: {  	v29 =	vbroadcast v0, $0x0;
	v0 =	vshll.u32 v3, v40;
	v3 =	vld [tilespmem:s19+$0xFFFFFF40];
	[tilespmem:v2+s12+$0x0] =	vst.idx.msk $0xffff, v1  }
0xaa: {  	v15 =	vadd.s32 v53, v16;
	v1 =	vld [tilespmem:$0x1FF10];
	[tilespmem:v8+s12+$0x0] =	vst.idx.msk $0xffff, v5  }
0xab: {  	s29 =	simm.s32 $0x4;
	s31 =	simm.s32 $0x5;
	v2 =	vld [tilespmem:$0x1FF20]  }
0xac: {  	v4 =	vmov s29;
	v6 =	vmov s31;
	s22 =	simm.s32 $0x6  }
0xad: {  	v4 =	vshrl.u32 v4, $0x3;
	v52 =	vadd.s32 v37, v63;
	v7 =	vmov s22  }
0xae: {  	v7 =	vshrl.u32 v7, $0x3;
	v12 =	vbroadcast v0, $0x0;
	v0 =	vshll.u32 v4, v40;
	v4 =	vld [tilespmem:s19+$0xFFFFFF80]  }
0xaf: {  	v17 =	vadd.s32 v51, v29;
	v11 =	vbroadcast v0, $0x0;
	v0 =	vshrl.u32 v6, $0x3;
	v6 =	vld [tilespmem:s19+$0xFFFFFFC0];
	[tilespmem:v15+s12+$0x0] =	vst.idx.msk $0xffff, v3  }
0xb0: {  	v18 =	vadd.s32 v50, v12;
	v0 =	vshll.u32 v0, v40;
	v57 =	vadd.s32 v2, v63;
	v2 =	vld [tilespmem:$0x1FF30]  }
0xb1: {  	v19 =	vld [tilespmem:s19+$0x0];
	v20 =	vadd.s32 v49, v11;
	v14 =	vbroadcast v0, $0x0;
	v0 =	vshll.u32 v7, v40  }
0xb2: {  	v13 =	vbroadcast v0, $0x0;
	v0 =	vld [tilespmem:s19+$0xD0];
	v62 =	vadd.s32 v1, v63;
	v1 =	vadd.s32 v52, v10;
	_ =	sdelay $0x1  }
0xb3: {  	[tilespmem:v17+s12+$0x0] =	vst.idx.msk $0xffff, v4  }
0xb4: {  	v55 =	vadd.s32 v2, v63;
	v2 =	vld [tilespmem:$0x1FF40];
	[tilespmem:v18+s12+$0x0] =	vst.idx.msk $0xffff, v6  }
0xb5: {  	v4 =	vld [tilespmem:$0x1FF50];
	[tilespmem:v20+s12+$0x0] =	vst.idx.msk $0xffff, v19  }
0xb6: {  	v3 =	vld [tilespmem:s19+$0x40];
	v7 =	vadd.s32 v47, v14;
	[tilespmem:v1+s12+$0x0] =	vst.idx.msk $0xffff, v0  }
0xb7: {  	v0 =	vld [tilespmem:$0x1FF70];
	_ =	sdelay $0x3  }
0xb8: {  	v8 =	vld [tilespmem:s19+$0x80];
	v15 =	vadd.s32 v46, v13;
	[tilespmem:v7+s12+$0x0] =	vst.idx.msk $0xffff, v3  }
0xb9: {  	v5 =	vadd.s32 v0, v63;
	v0 =	vld [tilespmem:$0x1FFA0];
	_ =	sdelay $0x3  }
0xba: {  	v21 =	vadd.s32 v48, v16;
	v17 =	vld [tilespmem:s19+$0xFFFFFF50];
	[tilespmem:v15+s12+$0x0] =	vst.idx.msk $0xffff, v8  }
0xbb: {  	v6 =	vadd.s32 v0, v63;
	v0 =	vld [tilespmem:$0x1FFD0];
	_ =	sdelay $0x3  }
0xbc: {  	v22 =	vadd.s32 v62, v29;
	v18 =	vld [tilespmem:s19+$0xFFFFFF90];
	[tilespmem:v21+s12+$0x0] =	vst.idx.msk $0xffff, v17  }
0xbd: {  	v8 =	vadd.s32 v0, v63;
	v0 =	vld [tilespmem:$0x1FF60]  }
0xbe: {  	v19 =	vld [tilespmem:s19+$0xFFFFFFD0];
	v2 =	vadd.s32 v2, v63  }
0xbf: {  	v3 =	vld [tilespmem:s19+$0xE0];
	v59 =	vadd.s32 v4, v63;
	v4 =	vadd.s32 v38, v63;
	v20 =	vadd.s32 v2, v12  }
0xc0: {  	v23 =	vld [tilespmem:s19+$0x10];
	v7 =	vadd.s32 v4, v10  }
0xc1: {  	v15 =	vld [tilespmem:s19+$0x50];
	v24 =	vadd.s32 v5, v11;
	[tilespmem:v22+s12+$0x0] =	vst.idx.msk $0xffff, v18  }
0xc2: {  	v17 =	vadd.s32 v6, v14;
	v58 =	vadd.s32 v0, v63;
	v0 =	vld [tilespmem:$0x1FF80];
	_ =	sdelay $0x1  }
0xc3: {  	v18 =	vld [tilespmem:s19+$0x90];
	[tilespmem:v20+s12+$0x0] =	vst.idx.msk $0xffff, v19  }
0xc4: {  	v22 =	vld [tilespmem:s19+$0xFFFFFF10];
	[tilespmem:v7+s12+$0x0] =	vst.idx.msk $0xffff, v3  }
0xc5: {  	v21 =	vadd.s32 v8, v13;
	v3 =	vld [tilespmem:$0x1FF90];
	[tilespmem:v24+s12+$0x0] =	vst.idx.msk $0xffff, v23  }
0xc6: {  	v7 =	vld [tilespmem:$0x1FFB0];
	[tilespmem:v17+s12+$0x0] =	vst.idx.msk $0xffff, v15;
	v1 =	vadd.s32 v0, v63;
	v0 =	vadd.s32 v39, v63  }
0xc7: {  	v25 =	vadd.s32 v44, v9;
	v23 =	vadd.s32 v0, v10;
	v10 =	vld [tilespmem:$0x1FFC0];
	_ =	sdelay $0x3  }
0xc8: {  	v19 =	vld [tilespmem:s19+$0xFFFFFF60];
	[tilespmem:v21+s12+$0x0] =	vst.idx.msk $0xffff, v18  }
0xc9: {  	v61 =	vadd.s32 v10, v63;
	v10 =	vld [tilespmem:$0x1FFE0];
	[tilespmem:v25+s12+$0x0] =	vst.idx.msk $0xffff, v22  }
0xca: {  	v20 =	vadd.s32 v45, v16;
	v17 =	vld [tilespmem:$0x1FFF0]  }
0xcb: {  	v60 =	vadd.s32 v3, v63;
	v3 =	vld [tilespmem:s19+$0xF0]  }
0xcc: {  	v26 =	vadd.s32 v57, v29;
	v24 =	vld [tilespmem:s19+$0xFFFFFFA0]  }
0xcd: {  	v28 =	vadd.s32 v59, v12;
	v15 =	vld [tilespmem:s19+$0xFFFFFFE0];
	v7 =	vadd.s32 v7, v63  }
0xce: {  	s26 =	simm.s32 $0xA;
	v31 =	vld [tilespmem:s19+$0x20];
	v32 =	vadd.s32 v1, v11;
	v18 =	vadd.s32 v7, v14  }
0xcf: {  	v30 =	vmov s26;
	s25 =	simm.s32 $0x9;
	s24 =	simm.s32 $0x8;
	[tilespmem:v20+s12+$0x0] =	vst.idx.msk $0xffff, v19;
	v10 =	vadd.s32 v10, v63;
	v63 =	vadd.s32 v17, v63;
	v17 =	vld [tilespmem:s19+$0x60]  }
0xd0: {  	v27 =	vmov s25;
	v21 =	vmov s24;
	v19 =	vld [tilespmem:s19+$0xA0];
	[tilespmem:v23+s12+$0x0] =	vst.idx.msk $0xffff, v3;
	v20 =	vadd.s32 v10, v13  }
0xd1: {  	s28 =	simm.s32 $0xB;
	s29 =	simm.s32 $0xC;
	v29 =	vadd.s32 v55, v29;
	v33 =	vshrl.u32 v21, $0x3;
	v22 =	vld [tilespmem:s19+$0xFFFFFF20];
	[tilespmem:v26+s12+$0x0] =	vst.idx.msk $0xffff, v24;
	v24 =	vadd.s32 v42, v9  }
0xd2: {  	s30 =	simm.s32 $0xD;
	s31 =	simm.s32 $0xE;
	v21 =	vmov s28;
	v23 =	vmov s29;
	[tilespmem:v28+s12+$0x0] =	vst.idx.msk $0xffff, v15;
	v28 =	vadd.s32 v43, v16;
	v25 =	vld [tilespmem:s19+$0xFFFFFF70]  }
0xd3: {  	s21 =	simm.s32 $0xF;
	s20 =	simm.s32 $0x10;
	v15 =	vmov s30;
	v3 =	vshll.u32 v33, v40;
	[tilespmem:v32+s12+$0x0] =	vst.idx.msk $0xffff, v31;
	v16 =	vmov s31;
	v26 =	vld [tilespmem:s19+$0xFFFFFFB0]  }
.LBB2_3:
0xd4: {  	p1 =	slt.u32 s20, $0x78;
	v27 =	vshrl.u32 v27, $0x3;
	v31 =	vmov s21;
	v32 =	vld [tilespmem:s19+$0xFFFFFFF0];
	v12 =	vadd.s32 v58, v12;
	[tilespmem:v18+s12+$0x0] =	vst.idx.msk $0xffff, v17  }
0xd5: {  	v17 =	vshrl.u32 v30, $0x3;
	v11 =	vadd.s32 v60, v11;
	v18 =	vshrl.u32 v31, $0x3;
	v30 =	vld [tilespmem:s19+$0x30];
	[tilespmem:v20+s12+$0x0] =	vst.idx.msk $0xffff, v19  }
0xd6: {  	v14 =	vadd.s32 v61, v14;
	v19 =	vshrl.u32 v21, $0x3;
	v18 =	vshll.u32 v18, v40;
	[tilespmem:v24+s12+$0x0] =	vst.idx.msk $0xffff, v22;
	v20 =	vld [tilespmem:s19+$0x70]  }
0xd7: {  	v13 =	vadd.s32 v63, v13;
	v21 =	vshrl.u32 v23, $0x3;
	v18 =	vbroadcast v18, $0x0;
	[tilespmem:v28+s12+$0x0] =	vst.idx.msk $0xffff, v25;
	v22 =	vld [tilespmem:s19+$0xB0]  }
0xd8: {  	v23 =	vshll.u32 v27, v40;
	v25 =	vadd.s32 v41, v9;
	v9 =	vbroadcast v3, $0x0;
	v24 =	vld [tilespmem:s19+$0xFFFFFF30];
	[tilespmem:v29+s12+$0x0] =	vst.idx.msk $0xffff, v26;
	s19 =	sadd.s32 $0x200, s19  }
0xd9: {  	v17 =	vshll.u32 v17, v40;
	v3 =	vbroadcast v23, $0x0;
	v23 =	vld [tilespmem:s19+$0xC0];
	v26 =	vadd.s32 v56, v18;
	[tilespmem:v12+s12+$0x0] =	vst.idx.msk $0xffff, v32  }
0xda: {  	v29 =	vbroadcast v17, $0x0;
	v28 =	vadd.s32 v54, v9;
	v12 =	vshll.u32 v19, v40;
	v27 =	vld [tilespmem:s19+$0xFFFFFF00];
	[tilespmem:v11+s12+$0x0] =	vst.idx.msk $0xffff, v30  }
0xdb: {  	v19 =	vadd.s32 v53, v3;
	v12 =	vbroadcast v12, $0x0;
	v11 =	vshll.u32 v21, v40;
	v17 =	vld [tilespmem:s19+$0xFFFFFF40];
	[tilespmem:v14+s12+$0x0] =	vst.idx.msk $0xffff, v20  }
0xdc: {  	v21 =	vadd.s32 v51, v29;
	v11 =	vbroadcast v11, $0x0;
	v14 =	vshrl.u32 v15, $0x3;
	v20 =	vld [tilespmem:s19+$0xFFFFFF80];
	[tilespmem:v13+s12+$0x0] =	vst.idx.msk $0xffff, v22  }
0xdd: {  	v16 =	vshrl.u32 v16, $0x3;
	v22 =	vadd.s32 v50, v12;
	v13 =	vshll.u32 v14, v40;
	v15 =	vld [tilespmem:s19+$0xFFFFFFC0];
	[tilespmem:v25+s12+$0x0] =	vst.idx.msk $0xffff, v24  }
0xde: {  	v25 =	vadd.s32 v49, v11;
	v14 =	vbroadcast v13, $0x0;
	v13 =	vshll.u32 v16, v40;
	v24 =	vld [tilespmem:s19+$0x0];
	[tilespmem:v26+s12+$0x0] =	vst.idx.msk $0xffff, v23  }
0xdf: {  	v13 =	vbroadcast v13, $0x0;
	v23 =	vadd.s32 v52, v18;
	[tilespmem:v28+s12+$0x0] =	vst.idx.msk $0xffff, v27;
	v16 =	vld [tilespmem:s19+$0xD0]  }
0xe0: {  	[tilespmem:v19+s12+$0x0] =	vst.idx.msk $0xffff, v17;
	v17 =	vld [tilespmem:s19+$0x40];
	v19 =	vadd.s32 v47, v14  }
0xe1: {  	[tilespmem:v21+s12+$0x0] =	vst.idx.msk $0xffff, v20;
	v20 =	vld [tilespmem:s19+$0x80];
	v21 =	vadd.s32 v46, v13  }
0xe2: {  	v27 =	vadd.s32 v48, v3;
	v26 =	vld [tilespmem:s19+$0xFFFFFF50];
	[tilespmem:v22+s12+$0x0] =	vst.idx.msk $0xffff, v15  }
0xe3: {  	v22 =	vadd.s32 v62, v29;
	v15 =	vld [tilespmem:s19+$0xFFFFFF90];
	[tilespmem:v25+s12+$0x0] =	vst.idx.msk $0xffff, v24  }
0xe4: {  	v25 =	vadd.s32 v2, v12;
	v24 =	vld [tilespmem:s19+$0xFFFFFFD0];
	[tilespmem:v23+s12+$0x0] =	vst.idx.msk $0xffff, v16  }
0xe5: {  	[tilespmem:v19+s12+$0x0] =	vst.idx.msk $0xffff, v17;
	v16 =	vld [tilespmem:s19+$0xE0];
	v17 =	vadd.s32 v4, v18  }
0xe6: {  	v23 =	vadd.s32 v5, v11;
	v19 =	vld [tilespmem:s19+$0x10];
	[tilespmem:v21+s12+$0x0] =	vst.idx.msk $0xffff, v20  }
0xe7: {  	v21 =	vadd.s32 v6, v14;
	[tilespmem:v27+s12+$0x0] =	vst.idx.msk $0xffff, v26;
	v20 =	vld [tilespmem:s19+$0x50]  }
0xe8: {  	[tilespmem:v22+s12+$0x0] =	vst.idx.msk $0xffff, v15;
	v15 =	vld [tilespmem:s19+$0x90];
	v22 =	vadd.s32 v8, v13  }
0xe9: {  	v27 =	vadd.s32 v44, v9;
	v26 =	vld [tilespmem:s19+$0xFFFFFF10];
	[tilespmem:v25+s12+$0x0] =	vst.idx.msk $0xffff, v24  }
0xea: {  	v25 =	vadd.s32 v45, v3;
	v24 =	vld [tilespmem:s19+$0xFFFFFF60];
	[tilespmem:v17+s12+$0x0] =	vst.idx.msk $0xffff, v16  }
0xeb: {  	[tilespmem:v23+s12+$0x0] =	vst.idx.msk $0xffff, v19;
	v16 =	vld [tilespmem:s19+$0xF0];
	v23 =	vadd.s32 v0, v18  }
0xec: {  	v31 =	vadd.s32 v57, v29;
	v28 =	vld [tilespmem:s19+$0xFFFFFFA0];
	[tilespmem:v21+s12+$0x0] =	vst.idx.msk $0xffff, v20  }
0xed: {  	v33 =	vadd.s32 v59, v12;
	v32 =	vld [tilespmem:s19+$0xFFFFFFE0];
	[tilespmem:v22+s12+$0x0] =	vst.idx.msk $0xffff, v15  }
0xee: {  	v35 =	vadd.s32 v1, v11;
	[tilespmem:v27+s12+$0x0] =	vst.idx.msk $0xffff, v26;
	v34 =	vld [tilespmem:s19+$0x20]  }
.Ltmp0:
0xef: {  	s21 =	sadd.s32 $0x1, s20;
	v18 =	vadd.s32 v7, v14;
	v15 =	vmov s20;
	[tilespmem:v25+s12+$0x0] =	vst.idx.msk $0xffff, v24;
	v17 =	vld [tilespmem:s19+$0x60];
	(pc) =	sbr.rel @p1 .LBB2_3-.Ltmp0, $4  }
0xf0: {  	s22 =	sadd.s32 $0x3, s20;
	v20 =	vadd.s32 v10, v13;
	v26 =	vshrl.u32 v15, $0x3;
	v27 =	vmov s21;
	s21 =	sadd.s32 $0x2, s20;
	v19 =	vld [tilespmem:s19+$0xA0];
	[tilespmem:v23+s12+$0x0] =	vst.idx.msk $0xffff, v16  }
0xf1: {  	v21 =	vmov s22;
	s22 =	sadd.s32 $0x5, s20;
	v30 =	vmov s21;
	s21 =	sadd.s32 $0x4, s20;
	v24 =	vadd.s32 v42, v9;
	v22 =	vld [tilespmem:s19+$0xFFFFFF20];
	[tilespmem:v31+s12+$0x0] =	vst.idx.msk $0xffff, v28  }
0xf2: {  	v15 =	vmov s22;
	v23 =	vmov s21;
	s21 =	sadd.s32 $0x6, s20;
	v28 =	vadd.s32 v43, v3;
	v25 =	vld [tilespmem:s19+$0xFFFFFF70];
	[tilespmem:v33+s12+$0x0] =	vst.idx.msk $0xffff, v32  }
0xf3: {  	v29 =	vadd.s32 v55, v29;
	v3 =	vshll.u32 v26, v40;
	v16 =	vmov s21;
	s21 =	sadd.s32 $0x7, s20;
	s20 =	sadd.s32 $0x8, s20;
	v26 =	vld [tilespmem:s19+$0xFFFFFFB0];
	[tilespmem:v35+s12+$0x0] =	vst.idx.msk $0xffff, v34  }
0xf4: {  	_ =	sdelay $0x2  }
0xf5: {  	v27 =	vshrl.u32 v27, $0x3  }
0xf6: {  	v31 =	vmov s21;
	v12 =	vadd.s32 v58, v12;
	[tilespmem:v18+s12+$0x0] =	vst.idx.msk $0xffff, v17;
	v34 =	vshrl.u32 v30, $0x3  }
0xf7: {  	v32 =	vld [tilespmem:s19+$0xFFFFFFF0];
	v11 =	vadd.s32 v60, v11;
	v14 =	vadd.s32 v61, v14;
	v13 =	vadd.s32 v63, v13  }
0xf8: {  	v30 =	vld [tilespmem:s19+$0x30];
	v3 =	vbroadcast v3, $0x0;
	v9 =	vadd.s32 v41, v9;
	v15 =	vshrl.u32 v15, $0x3;
	[tilespmem:v20+s12+$0x0] =	vst.idx.msk $0xffff, v19  }
0xf9: {  	v35 =	vshrl.u32 v31, $0x3;
	v31 =	vshrl.u32 v21, $0x3;
	v20 =	vld [tilespmem:s19+$0x70];
	v33 =	vshll.u32 v27, v40;
	[tilespmem:v24+s12+$0x0] =	vst.idx.msk $0xffff, v22  }
0xfa: {  	s25 =	sadd.s32 $0x200, s19;
	v21 =	vshrl.u32 v23, $0x3;
	v17 =	vshll.u32 v34, v40;
	v18 =	vshll.u32 v35, v40;
	v22 =	vld [tilespmem:s19+$0xB0];
	[tilespmem:v28+s12+$0x0] =	vst.idx.msk $0xffff, v25  }
0xfb: {  	v34 =	vld [tilespmem:s25+$0xFFFFFF00];
	v23 =	vbroadcast v33, $0x0;
	v35 =	vadd.s32 v54, v3;
	v17 =	vbroadcast v17, $0x0;
	[tilespmem:v29+s12+$0x0] =	vst.idx.msk $0xffff, v26  }
0xfc: {  	v15 =	vshll.u32 v15, v40;
	v21 =	vshll.u32 v21, v40;
	v18 =	vbroadcast v18, $0x0;
	v24 =	vld [tilespmem:s19+$0xFFFFFF30];
	[tilespmem:v12+s12+$0x0] =	vst.idx.msk $0xffff, v32  }
0xfd: {  	v28 =	vadd.s32 v53, v23;
	v53 =	vld [tilespmem:s25+$0xFFFFFF80];
	v54 =	vadd.s32 v51, v17;
	[tilespmem:v11+s12+$0x0] =	vst.idx.msk $0xffff, v30  }
0xfe: {  	v19 =	vshll.u32 v31, v40;
	v25 =	vld [tilespmem:s25+$0xC0];
	v21 =	vbroadcast v21, $0x0;
	v26 =	vadd.s32 v56, v18;
	[tilespmem:v14+s12+$0x0] =	vst.idx.msk $0xffff, v20  }
0xff: {  	v16 =	vshrl.u32 v16, $0x3;
	v15 =	vbroadcast v15, $0x0;
	v19 =	vbroadcast v19, $0x0;
	v11 =	vld [tilespmem:s25+$0xFFFFFF40];
	[tilespmem:v13+s12+$0x0] =	vst.idx.msk $0xffff, v22  }
0x100: {  	v16 =	vshll.u32 v16, v40;
	v32 =	vld [tilespmem:s25+$0x0];
	v33 =	vadd.s32 v49, v21;
	[tilespmem:v35+s12+$0x0] =	vst.idx.msk $0xffff, v34  }
0x101: {  	v56 =	vadd.s32 v50, v19;
	v12 =	vbroadcast v16, $0x0;
	v49 =	vld [tilespmem:s25+$0x40];
	v50 =	vadd.s32 v47, v15;
	[tilespmem:v9+s12+$0x0] =	vst.idx.msk $0xffff, v24  }
0x102: {  	v13 =	vld [tilespmem:s25+$0xFFFFFFC0];
	[tilespmem:v54+s12+$0x0] =	vst.idx.msk $0xffff, v53  }
0x103: {  	v51 =	vld [tilespmem:s25+$0x80];
	v35 =	vadd.s32 v52, v18;
	v52 =	vadd.s32 v46, v12;
	[tilespmem:v26+s12+$0x0] =	vst.idx.msk $0xffff, v25  }
0x104: {  	v31 =	vadd.s32 v44, v3;
	v30 =	vld [tilespmem:s25+$0xFFFFFF10];
	[tilespmem:v28+s12+$0x0] =	vst.idx.msk $0xffff, v11  }
0x105: {  	[tilespmem:v33+s12+$0x0] =	vst.idx.msk $0xffff, v32;
	v34 =	vld [tilespmem:s25+$0xD0]  }
0x106: {  	v54 =	vadd.s32 v48, v23;
	[tilespmem:v50+s12+$0x0] =	vst.idx.msk $0xffff, v49;
	v53 =	vld [tilespmem:s25+$0xFFFFFF50]  }
0x107: {  	v5 =	vadd.s32 v5, v21;
	v26 =	vld [tilespmem:s25+$0x10];
	[tilespmem:v56+s12+$0x0] =	vst.idx.msk $0xffff, v13  }
0x108: {  	v6 =	vadd.s32 v6, v15;
	v28 =	vld [tilespmem:s25+$0x50];
	[tilespmem:v52+s12+$0x0] =	vst.idx.msk $0xffff, v51  }
0x109: {  	v62 =	vadd.s32 v62, v17;
	v56 =	vld [tilespmem:s25+$0xFFFFFF90];
	[tilespmem:v31+s12+$0x0] =	vst.idx.msk $0xffff, v30  }
0x10a: {  	v2 =	vadd.s32 v2, v19;
	v24 =	vld [tilespmem:s25+$0xFFFFFFD0];
	[tilespmem:v35+s12+$0x0] =	vst.idx.msk $0xffff, v34  }
0x10b: {  	v8 =	vadd.s32 v8, v12;
	v29 =	vld [tilespmem:s25+$0x90];
	[tilespmem:v54+s12+$0x0] =	vst.idx.msk $0xffff, v53  }
0x10c: {  	v50 =	vadd.s32 v42, v3;
	v49 =	vld [tilespmem:s25+$0xFFFFFF20];
	[tilespmem:v5+s12+$0x0] =	vst.idx.msk $0xffff, v26  }
0x10d: {  	v4 =	vadd.s32 v4, v18;
	[tilespmem:v6+s12+$0x0] =	vst.idx.msk $0xffff, v28;
	v25 =	vld [tilespmem:s25+$0xE0]  }
0x10e: {  	v33 =	vadd.s32 v45, v23;
	[tilespmem:v62+s12+$0x0] =	vst.idx.msk $0xffff, v56;
	v32 =	vld [tilespmem:s25+$0xFFFFFF60]  }
0x10f: {  	v1 =	vadd.s32 v1, v21;
	v46 =	vld [tilespmem:s25+$0x20];
	[tilespmem:v2+s12+$0x0] =	vst.idx.msk $0xffff, v24  }
0x110: {  	v7 =	vadd.s32 v7, v15;
	v47 =	vld [tilespmem:s25+$0x60];
	[tilespmem:v8+s12+$0x0] =	vst.idx.msk $0xffff, v29  }
0x111: {  	v35 =	vadd.s32 v57, v17;
	v34 =	vld [tilespmem:s25+$0xFFFFFFA0];
	[tilespmem:v50+s12+$0x0] =	vst.idx.msk $0xffff, v49  }
0x112: {  	v45 =	vadd.s32 v59, v19;
	v44 =	vld [tilespmem:s25+$0xFFFFFFE0];
	[tilespmem:v4+s12+$0x0] =	vst.idx.msk $0xffff, v25  }
0x113: {  	v10 =	vadd.s32 v10, v12;
	v48 =	vld [tilespmem:s25+$0xA0];
	[tilespmem:v33+s12+$0x0] =	vst.idx.msk $0xffff, v32  }
0x114: {  	v3 =	vadd.s32 v41, v3;
	v62 =	vadd.s32 v63, v12;
	v63 =	vld [tilespmem:s25+$0xFFFFFF30];
	[tilespmem:v1+s12+$0x0] =	vst.idx.msk $0xffff, v46  }
0x115: {  	v0 =	vadd.s32 v0, v18;
	[tilespmem:v7+s12+$0x0] =	vst.idx.msk $0xffff, v47;
	v4 =	vld [tilespmem:s25+$0xF0]  }
0x116: {  	v52 =	vadd.s32 v43, v23;
	[tilespmem:v35+s12+$0x0] =	vst.idx.msk $0xffff, v34;
	v51 =	vld [tilespmem:s25+$0xFFFFFF70]  }
0x117: {  	s20 =	smulhi.u32 $0xCCCCCCCD, s17;
	v56 =	vadd.s32 v58, v19;
	v58 =	vadd.s32 v60, v21;
	v57 =	vld [tilespmem:s25+$0x30];
	[tilespmem:v45+s12+$0x0] =	vst.idx.msk $0xffff, v44  }
0x118: {  	v60 =	vadd.s32 v61, v15;
	v59 =	vld [tilespmem:s25+$0x70];
	[tilespmem:v10+s12+$0x0] =	vst.idx.msk $0xffff, v48  }
0x119: {  	s20 =	sshrl.u32 s20, $0x4;
	v54 =	vadd.s32 v55, v17;
	v53 =	vld [tilespmem:s25+$0xFFFFFFB0];
	[tilespmem:v3+s12+$0x0] =	vst.idx.msk $0xffff, v63  }
0x11a: {  	s26 =	smul.u32 $0x14, s20;
	v55 =	vld [tilespmem:s25+$0xFFFFFFF0];
	[tilespmem:v0+s12+$0x0] =	vst.idx.msk $0xffff, v4  }
0x11b: {  	v61 =	vld [tilespmem:s25+$0xB0];
	[tilespmem:v52+s12+$0x0] =	vst.idx.msk $0xffff, v51  }
0x11c: {  	s29 =	sshll.u32 s20, $0xA;
	s28 =	ssub.s32 s17, s26;
	[tilespmem:v58+s12+$0x0] =	vst.idx.msk $0xffff, v57  }
0x11d: {  	s30 =	smul.u32 $0x8800, s18;
	s19 =	sadd.s32 s6, s29;
	s17 =	sshll.u32 s28, $0x14;
	[tilespmem:v60+s12+$0x0] =	vst.idx.msk $0xffff, v59  }
0x11e: {  	s17 =	sadd.s32 s17, s19;
	[tilespmem:v54+s12+$0x0] =	vst.idx.msk $0xffff, v53  }
0x11f: {  	s19 =	sshrl.u32 s30, $0x2;
	s20 =	sshrl.u32 s17, $0x3;
	[tilespmem:v56+s12+$0x0] =	vst.idx.msk $0xffff, v55  }
0x120: {  	s17 =	sadd.s32 $0x3, s18;
	s21 =	sadd.s32 $0x6900, s19;
	s18 =	sadd.s32 s2, s20;
	[tilespmem:v62+s12+$0x0] =	vst.idx.msk $0xffff, v61  }
0x121: {  	[hbm4b:s18+s3] =	stream.linear.scatter [tilespmem:s21], [sflag:s17], $0x80, $0x38;
	[tilespmem:$0xAD00] =	vst v63  }
0x122: {  	s31 =	sadd.s32 $0x6988, s19;
	s22 =	sadd.s32 $0x10, s18  }
0x123: {  	[hbm4b:s22+s3] =	stream.linear.scatter [tilespmem:s31], [sflag:s17], $0x80, $0x38;
	[tilespmem:$0xAD00] =	vst v63  }
0x124: {  	s23 =	sadd.s32 $0x6A10, s19;
	s24 =	sadd.s32 $0x20, s18  }
0x125: {  	[hbm4b:s24+s3] =	stream.linear.scatter [tilespmem:s23], [sflag:s17], $0x80, $0x38;
	[tilespmem:$0xAD00] =	vst v63  }
0x126: {  	s26 =	sadd.s32 $0x30, s18;
	s25 =	sadd.s32 $0x6A98, s19  }
0x127: {  	[hbm4b:s26+s3] =	stream.linear.scatter [tilespmem:s25], [sflag:s17], $0x80, $0x38;
	[tilespmem:$0xAD00] =	vst v63  }
0x128: {  	s28 =	sadd.s32 $0x6B20, s19;
	s29 =	sadd.s32 $0x40, s18  }
0x129: {  	[hbm4b:s29+s3] =	stream.linear.scatter [tilespmem:s28], [sflag:s17], $0x80, $0x38;
	[tilespmem:$0xAD00] =	vst v63  }
0x12a: {  	s30 =	sadd.s32 $0x6BA8, s19;
	s31 =	sadd.s32 $0x50, s18  }
0x12b: {  	[hbm4b:s31+s3] =	stream.linear.scatter [tilespmem:s30], [sflag:s17], $0x80, $0x38;
	[tilespmem:$0xAD00] =	vst v63  }
0x12c: {  	s23 =	sadd.s32 $0x6C30, s19;
	s24 =	sadd.s32 $0x60, s18  }
0x12d: {  	[hbm4b:s24+s3] =	stream.linear.scatter [tilespmem:s23], [sflag:s17], $0x80, $0x38;
	[tilespmem:$0xAD00] =	vst v63  }
0x12e: {  	s25 =	sadd.s32 $0x6CB8, s19;
	s26 =	sadd.s32 $0x70, s18  }
0x12f: {  	[hbm4b:s26+s3] =	stream.linear.scatter [tilespmem:s25], [sflag:s17], $0x80, $0x38;
	[tilespmem:$0xAD00] =	vst v63  }
0x130: {  	s28 =	sadd.s32 $0x4000, s18;
	s29 =	sadd.s32 $0x6D40, s19  }
0x131: {  	[hbm4b:s28+s3] =	stream.linear.scatter [tilespmem:s29], [sflag:s17], $0x80, $0x38;
	[tilespmem:$0xAD00] =	vst v63  }
0x132: {  	s30 =	sadd.s32 $0x6DC8, s19;
	s31 =	sadd.s32 $0x4010, s18  }
0x133: {  	[hbm4b:s31+s3] =	stream.linear.scatter [tilespmem:s30], [sflag:s17], $0x80, $0x38;
	[tilespmem:$0xAD00] =	vst v63  }
0x134: {  	s23 =	sadd.s32 $0x6E50, s19;
	s24 =	sadd.s32 $0x4020, s18  }
0x135: {  	[hbm4b:s24+s3] =	stream.linear.scatter [tilespmem:s23], [sflag:s17], $0x80, $0x38;
	[tilespmem:$0xAD00] =	vst v63  }
0x136: {  	s25 =	sadd.s32 $0x6ED8, s19;
	s26 =	sadd.s32 $0x4030, s18  }
0x137: {  	[hbm4b:s26+s3] =	stream.linear.scatter [tilespmem:s25], [sflag:s17], $0x80, $0x38;
	[tilespmem:$0xAD00] =	vst v63  }
0x138: {  	s28 =	sadd.s32 $0x6F60, s19;
	s29 =	sadd.s32 $0x4040, s18  }
0x139: {  	[hbm4b:s29+s3] =	stream.linear.scatter [tilespmem:s28], [sflag:s17], $0x80, $0x38;
	[tilespmem:$0xAD00] =	vst v63  }
0x13a: {  	s30 =	sadd.s32 $0x6FE8, s19;
	s31 =	sadd.s32 $0x4050, s18  }
0x13b: {  	[hbm4b:s31+s3] =	stream.linear.scatter [tilespmem:s30], [sflag:s17], $0x80, $0x38;
	[tilespmem:$0xAD00] =	vst v63  }
0x13c: {  	s22 =	sadd.s32 $0x7070, s19;
	s23 =	sadd.s32 $0x4060, s18  }
0x13d: {  	[hbm4b:s23+s3] =	stream.linear.scatter [tilespmem:s22], [sflag:s17], $0x80, $0x38;
	[tilespmem:$0xAD00] =	vst v63  }
0x13e: {  	s24 =	sadd.s32 $0x70F8, s19;
	s25 =	sadd.s32 $0x4070, s18;
	s26 =	sor.u32 $0x8000, s20  }
0x13f: {  	[hbm4b:s25+s3] =	stream.linear.scatter [tilespmem:s24], [sflag:s17], $0x80, $0x38;
	[tilespmem:$0xAD00] =	vst v63  }
0x140: {  	s21 =	sadd.s32 s2, s26;
	s28 =	sadd.s32 $0x7180, s19  }
0x141: {  	[hbm4b:s21+s3] =	stream.linear.scatter [tilespmem:s28], [sflag:s17], $0x80, $0x38;
	[tilespmem:$0xAD00] =	vst v63  }
0x142: {  	s29 =	sadd.s32 $0x7208, s19;
	s23 =	sadd.s32 $0x10, s21  }
0x143: {  	[hbm4b:s23+s3] =	stream.linear.scatter [tilespmem:s29], [sflag:s17], $0x80, $0x38;
	[tilespmem:$0xAD00] =	vst v63  }
0x144: {  	s30 =	sadd.s32 $0x7290, s19;
	s31 =	sadd.s32 $0x20, s21  }
0x145: {  	[hbm4b:s31+s3] =	stream.linear.scatter [tilespmem:s30], [sflag:s17], $0x80, $0x38;
	[tilespmem:$0xAD00] =	vst v63  }
0x146: {  	s24 =	sadd.s32 $0x30, s21;
	s23 =	sadd.s32 $0x7318, s19  }
0x147: {  	[hbm4b:s24+s3] =	stream.linear.scatter [tilespmem:s23], [sflag:s17], $0x80, $0x38;
	[tilespmem:$0xAD00] =	vst v63  }
0x148: {  	s26 =	sadd.s32 $0x40, s21;
	s25 =	sadd.s32 $0x73A0, s19  }
0x149: {  	[hbm4b:s26+s3] =	stream.linear.scatter [tilespmem:s25], [sflag:s17], $0x80, $0x38;
	[tilespmem:$0xAD00] =	vst v63  }
0x14a: {  	s28 =	sadd.s32 $0x7428, s19;
	s29 =	sadd.s32 $0x50, s21  }
0x14b: {  	[hbm4b:s29+s3] =	stream.linear.scatter [tilespmem:s28], [sflag:s17], $0x80, $0x38;
	[tilespmem:$0xAD00] =	vst v63  }
0x14c: {  	s30 =	sadd.s32 $0x74B0, s19;
	s31 =	sadd.s32 $0x60, s21  }
0x14d: {  	[hbm4b:s31+s3] =	stream.linear.scatter [tilespmem:s30], [sflag:s17], $0x80, $0x38;
	[tilespmem:$0xAD00] =	vst v63  }
0x14e: {  	s21 =	sadd.s32 $0x70, s21;
	s24 =	sadd.s32 $0x7538, s19  }
0x14f: {  	[hbm4b:s21+s3] =	stream.linear.scatter [tilespmem:s24], [sflag:s17], $0x80, $0x38;
	[tilespmem:$0xAD00] =	vst v63  }
0x150: {  	s25 =	sadd.s32 $0xC000, s18;
	s26 =	sadd.s32 $0x75C0, s19  }
0x151: {  	[hbm4b:s25+s3] =	stream.linear.scatter [tilespmem:s26], [sflag:s17], $0x80, $0x38;
	[tilespmem:$0xAD00] =	vst v63  }
0x152: {  	s28 =	sadd.s32 $0x7648, s19;
	s29 =	sadd.s32 $0xC010, s18  }
0x153: {  	[hbm4b:s29+s3] =	stream.linear.scatter [tilespmem:s28], [sflag:s17], $0x80, $0x38;
	[tilespmem:$0xAD00] =	vst v63  }
0x154: {  	s30 =	sadd.s32 $0x76D0, s19;
	s31 =	sadd.s32 $0xC020, s18  }
0x155: {  	[hbm4b:s31+s3] =	stream.linear.scatter [tilespmem:s30], [sflag:s17], $0x80, $0x38;
	[tilespmem:$0xAD00] =	vst v63  }
0x156: {  	s23 =	sadd.s32 $0x7758, s19;
	s24 =	sadd.s32 $0xC030, s18  }
0x157: {  	[hbm4b:s24+s3] =	stream.linear.scatter [tilespmem:s23], [sflag:s17], $0x80, $0x38;
	[tilespmem:$0xAD00] =	vst v63  }
0x158: {  	s25 =	sadd.s32 $0x77E0, s19;
	s26 =	sadd.s32 $0xC040, s18  }
0x159: {  	[hbm4b:s26+s3] =	stream.linear.scatter [tilespmem:s25], [sflag:s17], $0x80, $0x38;
	[tilespmem:$0xAD00] =	vst v63  }
0x15a: {  	s28 =	sadd.s32 $0x7868, s19;
	s29 =	sadd.s32 $0xC050, s18  }
0x15b: {  	[hbm4b:s29+s3] =	stream.linear.scatter [tilespmem:s28], [sflag:s17], $0x80, $0x38;
	[tilespmem:$0xAD00] =	vst v63  }
0x15c: {  	s30 =	sadd.s32 $0x78F0, s19;
	s31 =	sadd.s32 $0xC060, s18  }
0x15d: {  	[hbm4b:s31+s3] =	stream.linear.scatter [tilespmem:s30], [sflag:s17], $0x80, $0x38;
	[tilespmem:$0xAD00] =	vst v63  }
0x15e: {  	s23 =	sadd.s32 $0x7978, s19;
	s24 =	sadd.s32 $0xC070, s18;
	s25 =	sor.u32 $0x10000, s20  }
0x15f: {  	[hbm4b:s24+s3] =	stream.linear.scatter [tilespmem:s23], [sflag:s17], $0x80, $0x38;
	[tilespmem:$0xAD00] =	vst v63  }
0x160: {  	s26 =	sadd.s32 $0x7A00, s19;
	s21 =	sadd.s32 s2, s25  }
0x161: {  	[hbm4b:s21+s3] =	stream.linear.scatter [tilespmem:s26], [sflag:s17], $0x80, $0x38;
	[tilespmem:$0xAD00] =	vst v63  }
0x162: {  	s28 =	sadd.s32 $0x7A88, s19;
	s29 =	sadd.s32 $0x10, s21  }
0x163: {  	[hbm4b:s29+s3] =	stream.linear.scatter [tilespmem:s28], [sflag:s17], $0x80, $0x38;
	[tilespmem:$0xAD00] =	vst v63  }
0x164: {  	s30 =	sadd.s32 $0x7B10, s19;
	s31 =	sadd.s32 $0x20, s21  }
0x165: {  	[hbm4b:s31+s3] =	stream.linear.scatter [tilespmem:s30], [sflag:s17], $0x80, $0x38;
	[tilespmem:$0xAD00] =	vst v63  }
0x166: {  	s23 =	sadd.s32 $0x7B98, s19;
	s24 =	sadd.s32 $0x30, s21  }
0x167: {  	[hbm4b:s24+s3] =	stream.linear.scatter [tilespmem:s23], [sflag:s17], $0x80, $0x38;
	[tilespmem:$0xAD00] =	vst v63  }
0x168: {  	s25 =	sadd.s32 $0x7C20, s19;
	s26 =	sadd.s32 $0x40, s21  }
0x169: {  	[hbm4b:s26+s3] =	stream.linear.scatter [tilespmem:s25], [sflag:s17], $0x80, $0x38;
	[tilespmem:$0xAD00] =	vst v63  }
0x16a: {  	s28 =	sadd.s32 $0x7CA8, s19;
	s29 =	sadd.s32 $0x50, s21  }
0x16b: {  	[hbm4b:s29+s3] =	stream.linear.scatter [tilespmem:s28], [sflag:s17], $0x80, $0x38;
	[tilespmem:$0xAD00] =	vst v63  }
0x16c: {  	s30 =	sadd.s32 $0x7D30, s19;
	s31 =	sadd.s32 $0x60, s21  }
0x16d: {  	[hbm4b:s31+s3] =	stream.linear.scatter [tilespmem:s30], [sflag:s17], $0x80, $0x38;
	[tilespmem:$0xAD00] =	vst v63  }
0x16e: {  	s21 =	sadd.s32 $0x70, s21;
	s23 =	sadd.s32 $0x7DB8, s19  }
0x16f: {  	[hbm4b:s21+s3] =	stream.linear.scatter [tilespmem:s23], [sflag:s17], $0x80, $0x38;
	[tilespmem:$0xAD00] =	vst v63  }
0x170: {  	s24 =	sadd.s32 $0x7E40, s19;
	s21 =	sadd.s32 $0x14000, s18  }
0x171: {  	[hbm4b:s21+s3] =	stream.linear.scatter [tilespmem:s24], [sflag:s17], $0x80, $0x38;
	[tilespmem:$0xAD00] =	vst v63  }
0x172: {  	s25 =	sadd.s32 $0x7EC8, s19;
	s26 =	sadd.s32 $0x10, s21  }
0x173: {  	[hbm4b:s26+s3] =	stream.linear.scatter [tilespmem:s25], [sflag:s17], $0x80, $0x38;
	[tilespmem:$0xAD00] =	vst v63  }
0x174: {  	s28 =	sadd.s32 $0x7F50, s19;
	s29 =	sadd.s32 $0x20, s21  }
0x175: {  	[hbm4b:s29+s3] =	stream.linear.scatter [tilespmem:s28], [sflag:s17], $0x80, $0x38;
	[tilespmem:$0xAD00] =	vst v63  }
0x176: {  	s30 =	sadd.s32 $0x7FD8, s19;
	s31 =	sadd.s32 $0x30, s21  }
0x177: {  	[hbm4b:s31+s3] =	stream.linear.scatter [tilespmem:s30], [sflag:s17], $0x80, $0x38;
	[tilespmem:$0xAD00] =	vst v63  }
0x178: {  	s24 =	sor.u32 $0x8060, s19;
	s25 =	sadd.s32 $0x40, s21  }
0x179: {  	[hbm4b:s25+s3] =	stream.linear.scatter [tilespmem:s24], [sflag:s17], $0x80, $0x38;
	[tilespmem:$0xAD00] =	vst v63  }
0x17a: {  	s26 =	sor.u32 $0x80E8, s19;
	s28 =	sadd.s32 $0x50, s21  }
0x17b: {  	[hbm4b:s28+s3] =	stream.linear.scatter [tilespmem:s26], [sflag:s17], $0x80, $0x38;
	[tilespmem:$0xAD00] =	vst v63  }
0x17c: {  	s29 =	sor.u32 $0x8170, s19;
	s30 =	sadd.s32 $0x60, s21  }
0x17d: {  	[hbm4b:s30+s3] =	stream.linear.scatter [tilespmem:s29], [sflag:s17], $0x80, $0x38;
	[tilespmem:$0xAD00] =	vst v63  }
0x17e: {  	s20 =	sor.u32 $0x18000, s20;
	s31 =	sor.u32 $0x81F8, s19;
	s21 =	sadd.s32 $0x70, s21  }
0x17f: {  	[hbm4b:s21+s3] =	stream.linear.scatter [tilespmem:s31], [sflag:s17], $0x80, $0x38;
	[tilespmem:$0xAD00] =	vst v63  }
0x180: {  	s22 =	sadd.s32 $0x8280, s19;
	s20 =	sadd.s32 s2, s20  }
0x181: {  	[hbm4b:s20+s3] =	stream.linear.scatter [tilespmem:s22], [sflag:s17], $0x80, $0x38;
	[tilespmem:$0xAD00] =	vst v63  }
0x182: {  	s23 =	sadd.s32 $0x8308, s19;
	s24 =	sadd.s32 $0x10, s20  }
0x183: {  	[hbm4b:s24+s3] =	stream.linear.scatter [tilespmem:s23], [sflag:s17], $0x80, $0x38;
	[tilespmem:$0xAD00] =	vst v63  }
0x184: {  	s25 =	sadd.s32 $0x8390, s19;
	s26 =	sadd.s32 $0x20, s20  }
0x185: {  	[hbm4b:s26+s3] =	stream.linear.scatter [tilespmem:s25], [sflag:s17], $0x80, $0x38;
	[tilespmem:$0xAD00] =	vst v63  }
0x186: {  	s28 =	sadd.s32 $0x8418, s19;
	s29 =	sadd.s32 $0x30, s20  }
0x187: {  	[hbm4b:s29+s3] =	stream.linear.scatter [tilespmem:s28], [sflag:s17], $0x80, $0x38;
	[tilespmem:$0xAD00] =	vst v63  }
0x188: {  	s30 =	sadd.s32 $0x84A0, s19;
	s31 =	sadd.s32 $0x40, s20  }
0x189: {  	[hbm4b:s31+s3] =	stream.linear.scatter [tilespmem:s30], [sflag:s17], $0x80, $0x38;
	[tilespmem:$0xAD00] =	vst v63  }
0x18a: {  	s23 =	sadd.s32 $0x8528, s19;
	s24 =	sadd.s32 $0x50, s20  }
0x18b: {  	[hbm4b:s24+s3] =	stream.linear.scatter [tilespmem:s23], [sflag:s17], $0x80, $0x38;
	[tilespmem:$0xAD00] =	vst v63  }
0x18c: {  	s25 =	sadd.s32 $0x85B0, s19;
	s26 =	sadd.s32 $0x60, s20  }
0x18d: {  	[hbm4b:s26+s3] =	stream.linear.scatter [tilespmem:s25], [sflag:s17], $0x80, $0x38;
	[tilespmem:$0xAD00] =	vst v63  }
0x18e: {  	s20 =	sadd.s32 $0x70, s20;
	s28 =	sadd.s32 $0x8638, s19  }
0x18f: {  	[hbm4b:s20+s3] =	stream.linear.scatter [tilespmem:s28], [sflag:s17], $0x80, $0x38;
	[tilespmem:$0xAD00] =	vst v63  }
0x190: {  	s18 =	sadd.s32 $0x1C000, s18;
	s29 =	sadd.s32 $0x86C0, s19  }
0x191: {  	[hbm4b:s18+s3] =	stream.linear.scatter [tilespmem:s29], [sflag:s17], $0x80, $0x38;
	[tilespmem:$0xAD00] =	vst v63  }
0x192: {  	s30 =	sadd.s32 $0x8748, s19;
	s31 =	sadd.s32 $0x10, s18  }
0x193: {  	[hbm4b:s31+s3] =	stream.linear.scatter [tilespmem:s30], [sflag:s17], $0x80, $0x38;
	[tilespmem:$0xAD00] =	vst v63  }
0x194: {  	s21 =	sadd.s32 $0x87D0, s19;
	s22 =	sadd.s32 $0x20, s18  }
0x195: {  	[hbm4b:s22+s3] =	stream.linear.scatter [tilespmem:s21], [sflag:s17], $0x80, $0x38;
	[tilespmem:$0xAD00] =	vst v63  }
0x196: {  	s23 =	sadd.s32 $0x8858, s19;
	s24 =	sadd.s32 $0x30, s18  }
0x197: {  	[hbm4b:s24+s3] =	stream.linear.scatter [tilespmem:s23], [sflag:s17], $0x80, $0x38;
	[tilespmem:$0xAD00] =	vst v63  }
0x198: {  	s25 =	sadd.s32 $0x88E0, s19;
	s26 =	sadd.s32 $0x40, s18  }
0x199: {  	[hbm4b:s26+s3] =	stream.linear.scatter [tilespmem:s25], [sflag:s17], $0x80, $0x38;
	[tilespmem:$0xAD00] =	vst v63  }
0x19a: {  	p1 =	sne.s32 s16, $0x50;
	s28 =	sadd.s32 $0x8968, s19;
	s29 =	sadd.s32 $0x50, s18  }
0x19b: {  	[hbm4b:s29+s3] =	stream.linear.scatter [tilespmem:s28], [sflag:s17], $0x80, $0x38;
	[tilespmem:$0xAD00] =	vst v63  }
.Ltmp1:
0x19c: {  	s30 =	sadd.s32 $0x89F0, s19;
	s31 =	sadd.s32 $0x60, s18;
	(pc) =	sbr.rel @p1 .LBB2_2-.Ltmp1, $4  }
0x19d: {  	[hbm4b:s31+s3] =	stream.linear.scatter [tilespmem:s30], [sflag:s17], $0x80, $0x38;
	[tilespmem:$0xAD00] =	vst v63  }
0x19e: {  	s19 =	sadd.s32 $0x8A78, s19;
	s18 =	sadd.s32 $0x70, s18  }
0x19f: {  	[hbm4b:s18+s3] =	stream.linear.scatter [tilespmem:s19], [sflag:s17], $0x80, $0x38;
	[tilespmem:$0xAD00] =	vst v63  }
0x1a0: {  	p0 =	por !p0, !p0;
	s17 =	smov.u32 s16  }
0x1a1: {  	_ =	swait.ge [sflag:s13], $0x400  }
0x1a2: {  	[sflag:s13] =	ssyncset.done $0x0  }
0x1a3: {  	[sflag:s13] =	ssyncadd.s32 $0xFFFFFC00  }
0x1a4: {  	_ =	swait.ge [sflag:s13], $0x400  }
0x1a5: {  	[sflag:s13] =	ssyncset.done $0x0  }
0x1a6: {  	[sflag:s13] =	ssyncadd.s32 $0xFFFFFC00  }
0x1a7: {  	_ =	swait.ge [sflag:s13], $0x400  }
0x1a8: {  	[sflag:s13] =	ssyncset.done $0x0  }
0x1a9: {  	[sflag:s13] =	ssyncadd.s32 $0xFFFFFC00  }
0x1aa: {  	_ =	swait.ge [sflag:s13], $0x400  }
0x1ab: {  	[sflag:s13] =	ssyncset.done $0x0  }
0x1ac: {  	[sflag:s13] =	ssyncadd.s32 $0xFFFFFC00  }
0x1ad: {  	_ =	swait.ge [sflag:s13], $0x400  }
0x1ae: {  	[sflag:s13] =	ssyncset.done $0x0  }
0x1af: {  	[sflag:s13] =	ssyncadd.s32 $0xFFFFFC00  }
0x1b0: {  	_ =	swait.ge [sflag:s13], $0x400  }
0x1b1: {  	[sflag:s13] =	ssyncset.done $0x0  }
0x1b2: {  	[sflag:s13] =	ssyncadd.s32 $0xFFFFFC00  }
0x1b3: {  	_ =	swait.ge [sflag:s13], $0x400  }
0x1b4: {  	[sflag:s13] =	ssyncset.done $0x0  }
0x1b5: {  	[sflag:s13] =	ssyncadd.s32 $0xFFFFFC00  }
0x1b6: {  	_ =	swait.ge [sflag:s13], $0x400  }
0x1b7: {  	[sflag:s13] =	ssyncset.done $0x0  }
0x1b8: {  	[sflag:s13] =	ssyncadd.s32 $0xFFFFFC00  }
0x1b9: {  	_ =	swait.ge [sflag:s14], $0x400  }
0x1ba: {  	[sflag:s14] =	ssyncset.done $0x0  }
0x1bb: {  	[sflag:s14] =	ssyncadd.s32 $0xFFFFFC00  }
0x1bc: {  	_ =	swait.ge [sflag:s14], $0x400  }
0x1bd: {  	[sflag:s14] =	ssyncset.done $0x0  }
0x1be: {  	[sflag:s14] =	ssyncadd.s32 $0xFFFFFC00  }
0x1bf: {  	_ =	swait.ge [sflag:s14], $0x400  }
0x1c0: {  	[sflag:s14] =	ssyncset.done $0x0  }
0x1c1: {  	[sflag:s14] =	ssyncadd.s32 $0xFFFFFC00  }
0x1c2: {  	_ =	swait.ge [sflag:s14], $0x400  }
0x1c3: {  	[sflag:s14] =	ssyncset.done $0x0  }
0x1c4: {  	[sflag:s14] =	ssyncadd.s32 $0xFFFFFC00  }
0x1c5: {  	_ =	swait.ge [sflag:s14], $0x400  }
0x1c6: {  	[sflag:s14] =	ssyncset.done $0x0  }
0x1c7: {  	[sflag:s14] =	ssyncadd.s32 $0xFFFFFC00  }
0x1c8: {  	_ =	swait.ge [sflag:s14], $0x400  }
0x1c9: {  	[sflag:s14] =	ssyncset.done $0x0  }
0x1ca: {  	s15 =	sadd.s32 $0x1, s15;
	[sflag:s14] =	ssyncadd.s32 $0xFFFFFC00  }
0x1cb: {  	p0 =	sne.s32 s15, s7;
	_ =	swait.ge [sflag:s14], $0x400  }
.Ltmp2:
0x1cc: {  	[sflag:s14] =	ssyncset.done $0x0;
	(pc) =	sbr.rel @p0 .LBB2_1-.Ltmp2, $4  }
0x1cd: {  	[sflag:s14] =	ssyncadd.s32 $0xFFFFFC00  }
0x1ce: {  	_ =	swait.ge [sflag:s14], $0x400  }
0x1cf: {  	[sflag:s14] =	ssyncset.done $0x0  }
0x1d0: {  	[sflag:s14] =	ssyncadd.s32 $0xFFFFFC00  }
0x1d1: {  	_ =	sfence.sel $0x180000  }
0x1d2: {  	[bflag:$0x0] =	sbarrier.arrive $0xFFFF  }
0x1d3: {  	p0 =	sne.s32 s0, $0x0;
	_ =	strace $0x90000047  }
0x1d4: {  	s0 =	sadd.s32 @!p0 $0x100000, s1;
	[bflag:$0x2] =	sbarrier.arrive $0xFFFF  }
0x1d5: {  	[sflag:s0] =	ssyncadd.tile.s32 @!p0 $0x1;
	_ =	shalt  }
.Lfunc_end2:
_tile_overlayer_lowered:
.L_overlay_start_2:
0x1d6: {  	(tag) =	ssettag $0x2  }
0x1d7: {  	s0 =	rddreg [dreg:$0x0];
	s2 =	stileid.u32  }
0x1d8: {  	s1 =	rddreg [dreg:$0x1];
	p0 =	sne.s32 s2, $0x0  }
0x1d9: {  	s3 =	rddreg [dreg:$0x2];
	[bflag:$0x3] =	sbarrier.arrive $0xFFFF;
	s2 =	simm.s32 @!p0 $0x1C05  }
0x1da: {  	[timem:s3], [sflag:s2] =	dma.local @!p0 [hbm:s0], s1  }
0x1db: {  	s0 =	simm.s32 @!p0 $0x5  }
0x1dc: {  	_ =	swait.ge @!p0 [sflag:s0], s1  }
0x1dd: {  	s1 =	ssub.s32 @!p0 $0x0, s1;
	[sflag:s0] =	ssyncset.done @!p0 $0x0  }
0x1de: {  	[sflag:s0] =	ssyncadd.s32 @!p0 s1  }
0x1df: {  	[bflag:$0x3] =	sbarrier.arrive $0xFFFF  }
0x1e0: {  	_ =	shalt  }

</sc_bundles>
